<compile_context>
chip_gen: v7x
topology: tpu7x:2x2x1
jax: 0.10.2.dev20260603
libtpu: 0.0.44.dev20260713+nightly
codegen_flags: <defaults>
</compile_context>

<pallas_src>
import functools

import jax
import jax.numpy as jnp
from jax import lax
from jax.experimental import pallas as pl
from jax.experimental.pallas import tpu as pltpu
from jax.experimental.pallas import tpu_sc as plsc

_LATENTS = (32, 64, 96, 128, 192, 256)
_NH = 6
_DIN = 73
_DP = 128
_DMAX = 256
_TILE = 512
_NT = 40
_P = _NT * _TILE
_BATCH = 16384
_NW = 32
_PB = _P // _NW
_NCH = _PB // 128



def _gather_body(src_hbm, idx_hbm, out_hbm, idx_v, buf_v, sem):
    wid = lax.axis_index("s") * 2 + lax.axis_index("c")
    base = wid * _PB
    for j in range(_NCH):
        pltpu.sync_copy(idx_hbm.at[pl.ds(base + j * 128, 128)], idx_v.at[j])
    cps = [pltpu.async_copy(src_hbm.at[idx_v.at[j]],
                            buf_v.at[pl.ds(j * 128, 128)], sem)
           for j in range(_NCH)]
    for cp in cps:
        cp.wait()
    pltpu.sync_copy(buf_v, out_hbm.at[pl.ds(base, _PB)])


def _sc_gather(src, idx2d):
    mesh = plsc.VectorSubcoreMesh(core_axis_name="c", subcore_axis_name="s", num_cores=2, num_subcores=16)
    k = functools.partial(
        pl.kernel,
        out_type=jax.ShapeDtypeStruct((_P, _DP), jnp.float32),
        mesh=mesh,
        scratch_types=[
            pltpu.VMEM((_NCH, 128), jnp.int32),
            pltpu.VMEM((_PB, _DP), jnp.float32),
            pltpu.SemaphoreType.DMA,
        ],
    )(_gather_body)
    return k(src, idx2d)



def _scatter_body(src_hbm, idx_hbm, out_hbm, idx_v, buf_v, sem):
    wid = lax.axis_index("s") * 2 + lax.axis_index("c")
    base = wid * _PB
    for j in range(_NCH):
        pltpu.sync_copy(idx_hbm.at[pl.ds(base + j * 128, 128)], idx_v.at[j])
    prev = None
    for j in range(_NCH):
        b = j % 2
        pltpu.sync_copy(src_hbm.at[pl.ds(base + j * 128, 128)], buf_v.at[b])
        cp = pltpu.async_copy(buf_v.at[b], out_hbm.at[idx_v.at[j]], sem)
        if prev is not None:
            prev.wait()
        prev = cp
    prev.wait()


def _sc_scatter(src, idx2d):
    mesh = plsc.VectorSubcoreMesh(core_axis_name="c", subcore_axis_name="s", num_cores=2, num_subcores=16)
    k = functools.partial(
        pl.kernel,
        out_type=jax.ShapeDtypeStruct((_BATCH + 1, _DMAX), jnp.float32),
        mesh=mesh,
        scratch_types=[
            pltpu.VMEM((_NCH, 128), jnp.int32),
            pltpu.VMEM((2, 128, _DMAX), jnp.float32),
            pltpu.SemaphoreType.DMA,
        ],
    )(_scatter_body)
    return k(src, idx2d)



def _mlp_body(te_ref, dt_ref, x_ref, a_ref, w1_ref, b1_ref, w2_ref, b2_ref,
              w3_ref, b3_ref, lnw_ref, lnb_ref, o_ref):
    i = pl.program_id(0)
    e = te_ref[i]
    d = dt_ref[i]
    x = x_ref[...]
    h = jax.lax.dot_general(x, w1_ref[0], (((1,), (1,)), ((), ())),
                            preferred_element_type=jnp.float32)
    h = h + b1_ref[0]
    h = jnp.where(h >= 0, h, a_ref[e, 0] * h)
    h = jax.lax.dot_general(h, w2_ref[0], (((1,), (1,)), ((), ())),
                            preferred_element_type=jnp.float32)
    h = h + b2_ref[0]
    h = jnp.where(h >= 0, h, a_ref[e, 1] * h)
    h = jax.lax.dot_general(h, w3_ref[0], (((1,), (1,)), ((), ())),
                            preferred_element_type=jnp.float32)
    h = h + b3_ref[0]
    inv_d = 1.0 / d.astype(jnp.float32)
    mu = jnp.sum(h, axis=1, keepdims=True) * inv_d
    col = jax.lax.broadcasted_iota(jnp.int32, h.shape, 1)
    diff = jnp.where(col < d, h - mu, 0.0)
    var = jnp.sum(diff * diff, axis=1, keepdims=True) * inv_d
    o_ref[...] = diff * jax.lax.rsqrt(var + 1e-5) * lnw_ref[0] + lnb_ref[0]


def _routed_mlp(tile_expert, d_tile, gathered, a_all, w1s, b1s, w2s, b2s,
                w3s, b3s, lnws, lnbs):
    wspec = lambda *shp: pl.BlockSpec((1,) + shp, lambda i, te, dt:
                                      (te[i],) + (0,) * len(shp))
    grid_spec = pltpu.PrefetchScalarGridSpec(
        num_scalar_prefetch=2,
        grid=(_NT,),
        in_specs=[
            pl.BlockSpec((_TILE, _DP), lambda i, te, dt: (i, 0)),
            pl.BlockSpec(memory_space=pltpu.SMEM),
            wspec(_DP, _DP),
            wspec(1, _DP),
            wspec(64, _DP),
            wspec(1, 64),
            wspec(_DMAX, 64),
            wspec(1, _DMAX),
            wspec(1, _DMAX),
            wspec(1, _DMAX),
        ],
        out_specs=pl.BlockSpec((_TILE, _DMAX), lambda i, te, dt: (i, 0)),
    )
    return pl.pallas_call(
        _mlp_body,
        grid_spec=grid_spec,
        out_shape=jax.ShapeDtypeStruct((_P, _DMAX), jnp.float32),
    )(tile_expert, d_tile, gathered, a_all, w1s, b1s, w2s, b2s, w3s, b3s,
      lnws, lnbs)



def kernel(equalized_symbol, csi_context, noise_power, rate_one_hot, params):
    b = equalized_symbol.shape[0]
    combined = jnp.concatenate(
        [equalized_symbol, csi_context, noise_power[:, None],
         jnp.zeros((b, _DP - _DIN), jnp.float32)], axis=1)
    combined = jnp.concatenate(
        [combined, jnp.zeros((1, _DP), jnp.float32)], axis=0)

    e = jnp.argmax(rate_one_hot, axis=1).astype(jnp.int32)
    oh = (e[:, None] == jnp.arange(_NH, dtype=jnp.int32)[None, :]).astype(jnp.int32)
    cum = jnp.cumsum(oh, axis=0)
    rank = jnp.take_along_axis(cum, e[:, None], axis=1)[:, 0] - 1
    counts = cum[-1]
    seg = ((counts + _TILE - 1) // _TILE) * _TILE
    bounds = jnp.cumsum(seg)
    starts = bounds - seg
    slot = starts[e] + rank
    tfs = jnp.full((_P,), _BATCH, jnp.int32).at[slot].set(
        jnp.arange(_BATCH, dtype=jnp.int32))
    tile_pos = jnp.arange(_NT, dtype=jnp.int32) * _TILE
    tile_expert = jnp.sum((tile_pos[:, None] >= bounds[None, :]).astype(jnp.int32),
                          axis=1)
    tile_expert = jnp.where(tile_expert >= _NH, 0, tile_expert)
    d_tile = jnp.array(_LATENTS, jnp.int32)[tile_expert]

    w1s = jnp.stack([jnp.pad(p['W1'], ((0, 0), (0, _DP - _DIN))) for p in params])
    b1s = jnp.stack([p['b1'][None, :] for p in params])
    w2s = jnp.stack([p['W2'] for p in params])
    b2s = jnp.stack([p['b2'][None, :] for p in params])
    w3s = jnp.stack([jnp.pad(p['W3'], ((0, _DMAX - p['W3'].shape[0]), (0, 0)))
                     for p in params])
    b3s = jnp.stack([jnp.pad(p['b3'], (0, _DMAX - p['b3'].shape[0]))[None, :]
                     for p in params])
    lnws = jnp.stack([jnp.pad(p['ln_w'], (0, _DMAX - p['ln_w'].shape[0]))[None, :]
                      for p in params])
    lnbs = jnp.stack([jnp.pad(p['ln_b'], (0, _DMAX - p['ln_b'].shape[0]))[None, :]
                      for p in params])
    a_all = jnp.stack([jnp.concatenate([p['a1'], p['a2']]) for p in params])

    gathered = _sc_gather(combined, tfs)
    out_sorted = _routed_mlp(tile_expert, d_tile, gathered, a_all, w1s, b1s,
                             w2s, b2s, w3s, b3s, lnws, lnbs)
    out_pad = _sc_scatter(out_sorted, tfs)
    return out_pad[:_BATCH]

# --- scband reference (transcript-rebuilt; emitter-appended) ---
"""Pipeline reference for scband-channel-autoencoder-decoder-17446157156679 (READ-ONLY COPY).

The authoritative reference and input builder live on the scoring server;
editing this copy changes nothing except your own understanding.
"""

import jax, jax.numpy as jnp
import numpy as np

RATES = [1, 2, 4, 6, 8, 10]
LATENT_DIMS = [32, 64, 96, 128, 192, 256]
NUM_RX_ANTENNAS = 4
CSI_VECTOR_SIZE = 64
INPUT_DIM = NUM_RX_ANTENNAS * 2 + CSI_VECTOR_SIZE + 1
BATCH = 16384


def _init_head(key, latent_dim):
    ks = jax.random.split(key, 3)
    return {
        'W1': jax.random.normal(ks[0], (128, INPUT_DIM), jnp.float32) * (1.0 / np.sqrt(INPUT_DIM)),
        'b1': jnp.zeros((128,), jnp.float32),
        'a1': jnp.full((1,), 0.25, jnp.float32),
        'W2': jax.random.normal(ks[1], (64, 128), jnp.float32) * (1.0 / np.sqrt(128)),
        'b2': jnp.zeros((64,), jnp.float32),
        'a2': jnp.full((1,), 0.25, jnp.float32),
        'W3': jax.random.normal(ks[2], (latent_dim, 64), jnp.float32) * (1.0 / np.sqrt(64)),
        'b3': jnp.zeros((latent_dim,), jnp.float32),
        'ln_w': jnp.ones((latent_dim,), jnp.float32),
        'ln_b': jnp.zeros((latent_dim,), jnp.float32),
    }


def setup_inputs(seed: int = 0):
    key = jax.random.key(seed)
    k1, k2, k3, k4, kp = jax.random.split(key, 5)
    params = [_init_head(jax.random.fold_in(kp, i), LATENT_DIMS[i]) for i in range(len(RATES))]
    return {
        'equalized_symbol': jax.random.normal(k1, (BATCH, NUM_RX_ANTENNAS * 2), jnp.float32),
        'csi_context': jax.random.normal(k2, (BATCH, CSI_VECTOR_SIZE), jnp.float32),
        'noise_power': jax.random.uniform(k3, (BATCH,), jnp.float32),
        'rate_one_hot': jax.random.uniform(k4, (BATCH, len(RATES)), jnp.float32),
        'params': params,
    }


def _prelu(x, a):
    return jnp.where(x >= 0, x, a * x)


def _head(x, p):
    h = x @ p['W1'].T + p['b1']
    h = _prelu(h, p['a1'])
    h = h @ p['W2'].T + p['b2']
    h = _prelu(h, p['a2'])
    h = h @ p['W3'].T + p['b3']
    mu = jnp.mean(h, axis=-1, keepdims=True)
    var = jnp.mean((h - mu) ** 2, axis=-1, keepdims=True)
    h = (h - mu) / jnp.sqrt(var + 1e-5)
    return h * p['ln_w'] + p['ln_b']


def reference(equalized_symbol, csi_context, noise_power, rate_one_hot, params):
    combined = jnp.concatenate([equalized_symbol, csi_context, noise_power[:, None]], axis=1)
    batch_rate_indices = jnp.argmax(rate_one_hot, axis=1)
    max_latent = max(LATENT_DIMS)
    out = jnp.zeros((csi_context.shape[0], max_latent), combined.dtype)
    for i, p in enumerate(params):
        o = _head(combined, p)
        d = o.shape[1]
        mask = (batch_rate_indices == i)[:, None]
        out = out.at[:, :d].set(jnp.where(mask, o, out[:, :d]))
    return out

if __name__ == "__main__":
    import jax
    _d = setup_inputs()
    print(jax.jit(kernel)(*tuple(_d.values())))

</pallas_src>

<mosaic_0001>
#map = affine_map<(d0, d1) -> (0, 0)>
#map1 = affine_map<(d0, d1) -> (0)>
module attributes {stable_mosaic.version = 14 : i64} {
  func.func @_scatter_body(%arg0: i32, %arg1: i32, %arg2: memref<20480x256xf32, #tpu.memory_space<hbm>>, %arg3: memref<20480xi32, #tpu.memory_space<hbm>>, %arg4: memref<16385x256xf32, #tpu.memory_space<hbm>>, %arg5: memref<5x128xi32, #tpu.memory_space<vmem>>, %arg6: memref<2x128x256xf32, #tpu.memory_space<vmem>>, %arg7: memref<!tpu.dma_semaphore, #tpu.memory_space<semaphore_mem>>) attributes {dimension_semantics = [#tpu.dimension_semantics<core_parallel>, #tpu.dimension_semantics<subcore_parallel>], iteration_bounds = array<i64: 2, 16>, scalar_prefetch = 0 : i64, scratch_operands = 3 : i64, tpu.core_type = #tpu.core_type<sc_vector_subcore>, window_params = [{transform_indices = #map}, {transform_indices = #map1}, {transform_indices = #map}]} {
    %mul3A = arith.constant 2 : i32
    %mul3A_0 = arith.muli %arg1, %mul3A : i32
    %add3A = arith.addi %mul3A_0, %arg0 : i32
    %mul3A_1 = arith.constant 640 : i32
    %mul3A_2 = arith.muli %add3A, %mul3A_1 : i32
    %add3A_3 = arith.constant 0 : i32
    %add3A_4 = arith.addi %mul3A_2, %add3A_3 : i32
    %run_scoped3A = arith.constant 0 : i32
    "tpu.region"() ({
      %run_scoped3A_150 = tpu.sem_alloc : memref<!tpu.dma_semaphore, #tpu.memory_space<semaphore_mem>>
      %dma_start3A_151 = arith.constant 0 : i32
      %dma_start3A_152 = tpu.memref_slice %arg5[%run_scoped3A, %dma_start3A_151] : memref<5x128xi32, #tpu.memory_space<vmem>> -> memref<1x128xi32, #tpu.memory_space<vmem>>
      %dma_start3A_153 = tpu.memref_squeeze %dma_start3A_152 : memref<1x128xi32, #tpu.memory_space<vmem>> -> memref<128xi32, #tpu.memory_space<vmem>>
      %dma_start3A_154 = tpu.memref_slice %arg3[%add3A_4] : memref<20480xi32, #tpu.memory_space<hbm>> -> memref<128xi32, #tpu.memory_space<hbm>>
      %dma_start3A_155 = arith.constant 0 : i32
      %dma_start3A_156 = tpu.memref_slice %arg5[%run_scoped3A, %dma_start3A_155] : memref<5x128xi32, #tpu.memory_space<vmem>> -> memref<1x128xi32, #tpu.memory_space<vmem>>
      %dma_start3A_157 = tpu.memref_squeeze %dma_start3A_156 : memref<1x128xi32, #tpu.memory_space<vmem>> -> memref<128xi32, #tpu.memory_space<vmem>>
      %dma_start3A_158 = tpu.memref_slice %arg3[%add3A_4] : memref<20480xi32, #tpu.memory_space<hbm>> -> memref<128xi32, #tpu.memory_space<hbm>>
      tpu.enqueue_dma source(%dma_start3A_158 : memref<128xi32, #tpu.memory_space<hbm>>) target(%dma_start3A_157 : memref<128xi32, #tpu.memory_space<vmem>>) target_semaphore(%run_scoped3A_150 : memref<!tpu.dma_semaphore, #tpu.memory_space<semaphore_mem>>)
      %dma_wait3A_159 = arith.constant 0 : i32
      %dma_wait3A_160 = tpu.memref_slice %arg5[%run_scoped3A, %dma_wait3A_159] : memref<5x128xi32, #tpu.memory_space<vmem>> -> memref<1x128xi32, #tpu.memory_space<vmem>>
      %dma_wait3A_161 = tpu.memref_squeeze %dma_wait3A_160 : memref<1x128xi32, #tpu.memory_space<vmem>> -> memref<128xi32, #tpu.memory_space<vmem>>
      %dma_wait3A_162 = tpu.memref_slice %arg3[%add3A_4] : memref<20480xi32, #tpu.memory_space<hbm>> -> memref<128xi32, #tpu.memory_space<hbm>>
      %dma_wait3A_163 = arith.constant 0 : i32
      %dma_wait3A_164 = tpu.memref_slice %arg5[%run_scoped3A, %dma_wait3A_163] : memref<5x128xi32, #tpu.memory_space<vmem>> -> memref<1x128xi32, #tpu.memory_space<vmem>>
      %dma_wait3A_165 = tpu.memref_squeeze %dma_wait3A_164 : memref<1x128xi32, #tpu.memory_space<vmem>> -> memref<128xi32, #tpu.memory_space<vmem>>
      %dma_wait3A_166 = tpu.memref_slice %arg3[%add3A_4] : memref<20480xi32, #tpu.memory_space<hbm>> -> memref<128xi32, #tpu.memory_space<hbm>>
      tpu.wait_dma2 semaphore(%run_scoped3A_150 : memref<!tpu.dma_semaphore, #tpu.memory_space<semaphore_mem>>) src(%dma_wait3A_166 : memref<128xi32, #tpu.memory_space<hbm>>) dst(%dma_wait3A_165 : memref<128xi32, #tpu.memory_space<vmem>>)
      tpu.yield
    }) : () -> ()
    %add3A_5 = arith.constant 128 : i32
    %add3A_6 = arith.addi %mul3A_2, %add3A_5 : i32
    %run_scoped3A_7 = arith.constant 1 : i32
    "tpu.region"() ({
      %run_scoped3A_150 = tpu.sem_alloc : memref<!tpu.dma_semaphore, #tpu.memory_space<semaphore_mem>>
      %dma_start3A_151 = arith.constant 0 : i32
      %dma_start3A_152 = tpu.memref_slice %arg5[%run_scoped3A_7, %dma_start3A_151] : memref<5x128xi32, #tpu.memory_space<vmem>> -> memref<1x128xi32, #tpu.memory_space<vmem>>
      %dma_start3A_153 = tpu.memref_squeeze %dma_start3A_152 : memref<1x128xi32, #tpu.memory_space<vmem>> -> memref<128xi32, #tpu.memory_space<vmem>>
      %dma_start3A_154 = tpu.memref_slice %arg3[%add3A_6] : memref<20480xi32, #tpu.memory_space<hbm>> -> memref<128xi32, #tpu.memory_space<hbm>>
      %dma_start3A_155 = arith.constant 0 : i32
      %dma_start3A_156 = tpu.memref_slice %arg5[%run_scoped3A_7, %dma_start3A_155] : memref<5x128xi32, #tpu.memory_space<vmem>> -> memref<1x128xi32, #tpu.memory_space<vmem>>
      %dma_start3A_157 = tpu.memref_squeeze %dma_start3A_156 : memref<1x128xi32, #tpu.memory_space<vmem>> -> memref<128xi32, #tpu.memory_space<vmem>>
      %dma_start3A_158 = tpu.memref_slice %arg3[%add3A_6] : memref<20480xi32, #tpu.memory_space<hbm>> -> memref<128xi32, #tpu.memory_space<hbm>>
      tpu.enqueue_dma source(%dma_start3A_158 : memref<128xi32, #tpu.memory_space<hbm>>) target(%dma_start3A_157 : memref<128xi32, #tpu.memory_space<vmem>>) target_semaphore(%run_scoped3A_150 : memref<!tpu.dma_semaphore, #tpu.memory_space<semaphore_mem>>)
      %dma_wait3A_159 = arith.constant 0 : i32
      %dma_wait3A_160 = tpu.memref_slice %arg5[%run_scoped3A_7, %dma_wait3A_159] : memref<5x128xi32, #tpu.memory_space<vmem>> -> memref<1x128xi32, #tpu.memory_space<vmem>>
      %dma_wait3A_161 = tpu.memref_squeeze %dma_wait3A_160 : memref<1x128xi32, #tpu.memory_space<vmem>> -> memref<128xi32, #tpu.memory_space<vmem>>
      %dma_wait3A_162 = tpu.memref_slice %arg3[%add3A_6] : memref<20480xi32, #tpu.memory_space<hbm>> -> memref<128xi32, #tpu.memory_space<hbm>>
      %dma_wait3A_163 = arith.constant 0 : i32
      %dma_wait3A_164 = tpu.memref_slice %arg5[%run_scoped3A_7, %dma_wait3A_163] : memref<5x128xi32, #tpu.memory_space<vmem>> -> memref<1x128xi32, #tpu.memory_space<vmem>>
      %dma_wait3A_165 = tpu.memref_squeeze %dma_wait3A_164 : memref<1x128xi32, #tpu.memory_space<vmem>> -> memref<128xi32, #tpu.memory_space<vmem>>
      %dma_wait3A_166 = tpu.memref_slice %arg3[%add3A_6] : memref<20480xi32, #tpu.memory_space<hbm>> -> memref<128xi32, #tpu.memory_space<hbm>>
      tpu.wait_dma2 semaphore(%run_scoped3A_150 : memref<!tpu.dma_semaphore, #tpu.memory_space<semaphore_mem>>) src(%dma_wait3A_166 : memref<128xi32, #tpu.memory_space<hbm>>) dst(%dma_wait3A_165 : memref<128xi32, #tpu.memory_space<vmem>>)
      tpu.yield
    }) : () -> ()
    %add3A_8 = arith.constant 256 : i32
    %add3A_9 = arith.addi %mul3A_2, %add3A_8 : i32
    %run_scoped3A_10 = arith.constant 2 : i32
    "tpu.region"() ({
      %run_scoped3A_150 = tpu.sem_alloc : memref<!tpu.dma_semaphore, #tpu.memory_space<semaphore_mem>>
      %dma_start3A_151 = arith.constant 0 : i32
      %dma_start3A_152 = tpu.memref_slice %arg5[%run_scoped3A_10, %dma_start3A_151] : memref<5x128xi32, #tpu.memory_space<vmem>> -> memref<1x128xi32, #tpu.memory_space<vmem>>
      %dma_start3A_153 = tpu.memref_squeeze %dma_start3A_152 : memref<1x128xi32, #tpu.memory_space<vmem>> -> memref<128xi32, #tpu.memory_space<vmem>>
      %dma_start3A_154 = tpu.memref_slice %arg3[%add3A_9] : memref<20480xi32, #tpu.memory_space<hbm>> -> memref<128xi32, #tpu.memory_space<hbm>>
      %dma_start3A_155 = arith.constant 0 : i32
      %dma_start3A_156 = tpu.memref_slice %arg5[%run_scoped3A_10, %dma_start3A_155] : memref<5x128xi32, #tpu.memory_space<vmem>> -> memref<1x128xi32, #tpu.memory_space<vmem>>
      %dma_start3A_157 = tpu.memref_squeeze %dma_start3A_156 : memref<1x128xi32, #tpu.memory_space<vmem>> -> memref<128xi32, #tpu.memory_space<vmem>>
      %dma_start3A_158 = tpu.memref_slice %arg3[%add3A_9] : memref<20480xi32, #tpu.memory_space<hbm>> -> memref<128xi32, #tpu.memory_space<hbm>>
      tpu.enqueue_dma source(%dma_start3A_158 : memref<128xi32, #tpu.memory_space<hbm>>) target(%dma_start3A_157 : memref<128xi32, #tpu.memory_space<vmem>>) target_semaphore(%run_scoped3A_150 : memref<!tpu.dma_semaphore, #tpu.memory_space<semaphore_mem>>)
      %dma_wait3A_159 = arith.constant 0 : i32
      %dma_wait3A_160 = tpu.memref_slice %arg5[%run_scoped3A_10, %dma_wait3A_159] : memref<5x128xi32, #tpu.memory_space<vmem>> -> memref<1x128xi32, #tpu.memory_space<vmem>>
      %dma_wait3A_161 = tpu.memref_squeeze %dma_wait3A_160 : memref<1x128xi32, #tpu.memory_space<vmem>> -> memref<128xi32, #tpu.memory_space<vmem>>
      %dma_wait3A_162 = tpu.memref_slice %arg3[%add3A_9] : memref<20480xi32, #tpu.memory_space<hbm>> -> memref<128xi32, #tpu.memory_space<hbm>>
      %dma_wait3A_163 = arith.constant 0 : i32
      %dma_wait3A_164 = tpu.memref_slice %arg5[%run_scoped3A_10, %dma_wait3A_163] : memref<5x128xi32, #tpu.memory_space<vmem>> -> memref<1x128xi32, #tpu.memory_space<vmem>>
      %dma_wait3A_165 = tpu.memref_squeeze %dma_wait3A_164 : memref<1x128xi32, #tpu.memory_space<vmem>> -> memref<128xi32, #tpu.memory_space<vmem>>
      %dma_wait3A_166 = tpu.memref_slice %arg3[%add3A_9] : memref<20480xi32, #tpu.memory_space<hbm>> -> memref<128xi32, #tpu.memory_space<hbm>>
      tpu.wait_dma2 semaphore(%run_scoped3A_150 : memref<!tpu.dma_semaphore, #tpu.memory_space<semaphore_mem>>) src(%dma_wait3A_166 : memref<128xi32, #tpu.memory_space<hbm>>) dst(%dma_wait3A_165 : memref<128xi32, #tpu.memory_space<vmem>>)
      tpu.yield
    }) : () -> ()
    %add3A_11 = arith.constant 384 : i32
    %add3A_12 = arith.addi %mul3A_2, %add3A_11 : i32
    %run_scoped3A_13 = arith.constant 3 : i32
    "tpu.region"() ({
      %run_scoped3A_150 = tpu.sem_alloc : memref<!tpu.dma_semaphore, #tpu.memory_space<semaphore_mem>>
      %dma_start3A_151 = arith.constant 0 : i32
      %dma_start3A_152 = tpu.memref_slice %arg5[%run_scoped3A_13, %dma_start3A_151] : memref<5x128xi32, #tpu.memory_space<vmem>> -> memref<1x128xi32, #tpu.memory_space<vmem>>
      %dma_start3A_153 = tpu.memref_squeeze %dma_start3A_152 : memref<1x128xi32, #tpu.memory_space<vmem>> -> memref<128xi32, #tpu.memory_space<vmem>>
      %dma_start3A_154 = tpu.memref_slice %arg3[%add3A_12] : memref<20480xi32, #tpu.memory_space<hbm>> -> memref<128xi32, #tpu.memory_space<hbm>>
      %dma_start3A_155 = arith.constant 0 : i32
      %dma_start3A_156 = tpu.memref_slice %arg5[%run_scoped3A_13, %dma_start3A_155] : memref<5x128xi32, #tpu.memory_space<vmem>> -> memref<1x128xi32, #tpu.memory_space<vmem>>
      %dma_start3A_157 = tpu.memref_squeeze %dma_start3A_156 : memref<1x128xi32, #tpu.memory_space<vmem>> -> memref<128xi32, #tpu.memory_space<vmem>>
      %dma_start3A_158 = tpu.memref_slice %arg3[%add3A_12] : memref<20480xi32, #tpu.memory_space<hbm>> -> memref<128xi32, #tpu.memory_space<hbm>>
      tpu.enqueue_dma source(%dma_start3A_158 : memref<128xi32, #tpu.memory_space<hbm>>) target(%dma_start3A_157 : memref<128xi32, #tpu.memory_space<vmem>>) target_semaphore(%run_scoped3A_150 : memref<!tpu.dma_semaphore, #tpu.memory_space<semaphore_mem>>)
      %dma_wait3A_159 = arith.constant 0 : i32
      %dma_wait3A_160 = tpu.memref_slice %arg5[%run_scoped3A_13, %dma_wait3A_159] : memref<5x128xi32, #tpu.memory_space<vmem>> -> memref<1x128xi32, #tpu.memory_space<vmem>>
      %dma_wait3A_161 = tpu.memref_squeeze %dma_wait3A_160 : memref<1x128xi32, #tpu.memory_space<vmem>> -> memref<128xi32, #tpu.memory_space<vmem>>
      %dma_wait3A_162 = tpu.memref_slice %arg3[%add3A_12] : memref<20480xi32, #tpu.memory_space<hbm>> -> memref<128xi32, #tpu.memory_space<hbm>>
      %dma_wait3A_163 = arith.constant 0 : i32
      %dma_wait3A_164 = tpu.memref_slice %arg5[%run_scoped3A_13, %dma_wait3A_163] : memref<5x128xi32, #tpu.memory_space<vmem>> -> memref<1x128xi32, #tpu.memory_space<vmem>>
      %dma_wait3A_165 = tpu.memref_squeeze %dma_wait3A_164 : memref<1x128xi32, #tpu.memory_space<vmem>> -> memref<128xi32, #tpu.memory_space<vmem>>
      %dma_wait3A_166 = tpu.memref_slice %arg3[%add3A_12] : memref<20480xi32, #tpu.memory_space<hbm>> -> memref<128xi32, #tpu.memory_space<hbm>>
      tpu.wait_dma2 semaphore(%run_scoped3A_150 : memref<!tpu.dma_semaphore, #tpu.memory_space<semaphore_mem>>) src(%dma_wait3A_166 : memref<128xi32, #tpu.memory_space<hbm>>) dst(%dma_wait3A_165 : memref<128xi32, #tpu.memory_space<vmem>>)
      tpu.yield
    }) : () -> ()
    %add3A_14 = arith.constant 512 : i32
    %add3A_15 = arith.addi %mul3A_2, %add3A_14 : i32
    %run_scoped3A_16 = arith.constant 4 : i32
    "tpu.region"() ({
      %run_scoped3A_150 = tpu.sem_alloc : memref<!tpu.dma_semaphore, #tpu.memory_space<semaphore_mem>>
      %dma_start3A_151 = arith.constant 0 : i32
      %dma_start3A_152 = tpu.memref_slice %arg5[%run_scoped3A_16, %dma_start3A_151] : memref<5x128xi32, #tpu.memory_space<vmem>> -> memref<1x128xi32, #tpu.memory_space<vmem>>
      %dma_start3A_153 = tpu.memref_squeeze %dma_start3A_152 : memref<1x128xi32, #tpu.memory_space<vmem>> -> memref<128xi32, #tpu.memory_space<vmem>>
      %dma_start3A_154 = tpu.memref_slice %arg3[%add3A_15] : memref<20480xi32, #tpu.memory_space<hbm>> -> memref<128xi32, #tpu.memory_space<hbm>>
      %dma_start3A_155 = arith.constant 0 : i32
      %dma_start3A_156 = tpu.memref_slice %arg5[%run_scoped3A_16, %dma_start3A_155] : memref<5x128xi32, #tpu.memory_space<vmem>> -> memref<1x128xi32, #tpu.memory_space<vmem>>
      %dma_start3A_157 = tpu.memref_squeeze %dma_start3A_156 : memref<1x128xi32, #tpu.memory_space<vmem>> -> memref<128xi32, #tpu.memory_space<vmem>>
      %dma_start3A_158 = tpu.memref_slice %arg3[%add3A_15] : memref<20480xi32, #tpu.memory_space<hbm>> -> memref<128xi32, #tpu.memory_space<hbm>>
      tpu.enqueue_dma source(%dma_start3A_158 : memref<128xi32, #tpu.memory_space<hbm>>) target(%dma_start3A_157 : memref<128xi32, #tpu.memory_space<vmem>>) target_semaphore(%run_scoped3A_150 : memref<!tpu.dma_semaphore, #tpu.memory_space<semaphore_mem>>)
      %dma_wait3A_159 = arith.constant 0 : i32
      %dma_wait3A_160 = tpu.memref_slice %arg5[%run_scoped3A_16, %dma_wait3A_159] : memref<5x128xi32, #tpu.memory_space<vmem>> -> memref<1x128xi32, #tpu.memory_space<vmem>>
      %dma_wait3A_161 = tpu.memref_squeeze %dma_wait3A_160 : memref<1x128xi32, #tpu.memory_space<vmem>> -> memref<128xi32, #tpu.memory_space<vmem>>
      %dma_wait3A_162 = tpu.memref_slice %arg3[%add3A_15] : memref<20480xi32, #tpu.memory_space<hbm>> -> memref<128xi32, #tpu.memory_space<hbm>>
      %dma_wait3A_163 = arith.constant 0 : i32
      %dma_wait3A_164 = tpu.memref_slice %arg5[%run_scoped3A_16, %dma_wait3A_163] : memref<5x128xi32, #tpu.memory_space<vmem>> -> memref<1x128xi32, #tpu.memory_space<vmem>>
      %dma_wait3A_165 = tpu.memref_squeeze %dma_wait3A_164 : memref<1x128xi32, #tpu.memory_space<vmem>> -> memref<128xi32, #tpu.memory_space<vmem>>
      %dma_wait3A_166 = tpu.memref_slice %arg3[%add3A_15] : memref<20480xi32, #tpu.memory_space<hbm>> -> memref<128xi32, #tpu.memory_space<hbm>>
      tpu.wait_dma2 semaphore(%run_scoped3A_150 : memref<!tpu.dma_semaphore, #tpu.memory_space<semaphore_mem>>) src(%dma_wait3A_166 : memref<128xi32, #tpu.memory_space<hbm>>) dst(%dma_wait3A_165 : memref<128xi32, #tpu.memory_space<vmem>>)
      tpu.yield
    }) : () -> ()
    %add3A_17 = arith.constant 0 : i32
    %add3A_18 = arith.addi %mul3A_2, %add3A_17 : i32
    %run_scoped3A_19 = arith.constant 0 : i32
    "tpu.region"() ({
      %run_scoped3A_150 = tpu.sem_alloc : memref<!tpu.dma_semaphore, #tpu.memory_space<semaphore_mem>>
      %dma_start3A_151 = arith.constant 0 : i32
      %dma_start3A_152 = arith.constant 0 : i32
      %dma_start3A_153 = tpu.memref_slice %arg6[%run_scoped3A_19, %dma_start3A_151, %dma_start3A_152] : memref<2x128x256xf32, #tpu.memory_space<vmem>> -> memref<1x128x256xf32, #tpu.memory_space<vmem>>
      %dma_start3A_154 = tpu.memref_squeeze %dma_start3A_153 : memref<1x128x256xf32, #tpu.memory_space<vmem>> -> memref<128x256xf32, #tpu.memory_space<vmem>>
      %dma_start3A_155 = arith.constant 0 : i32
      %dma_start3A_156 = tpu.memref_slice %arg2[%add3A_18, %dma_start3A_155] : memref<20480x256xf32, #tpu.memory_space<hbm>> -> memref<128x256xf32, #tpu.memory_space<hbm>>
      %dma_start3A_157 = arith.constant 0 : i32
      %dma_start3A_158 = arith.constant 0 : i32
      %dma_start3A_159 = tpu.memref_slice %arg6[%run_scoped3A_19, %dma_start3A_157, %dma_start3A_158] : memref<2x128x256xf32, #tpu.memory_space<vmem>> -> memref<1x128x256xf32, #tpu.memory_space<vmem>>
      %dma_start3A_160 = tpu.memref_squeeze %dma_start3A_159 : memref<1x128x256xf32, #tpu.memory_space<vmem>> -> memref<128x256xf32, #tpu.memory_space<vmem>>
      %dma_start3A_161 = arith.constant 0 : i32
      %dma_start3A_162 = tpu.memref_slice %arg2[%add3A_18, %dma_start3A_161] : memref<20480x256xf32, #tpu.memory_space<hbm>> -> memref<128x256xf32, #tpu.memory_space<hbm>>
      tpu.enqueue_dma source(%dma_start3A_162 : memref<128x256xf32, #tpu.memory_space<hbm>>) target(%dma_start3A_160 : memref<128x256xf32, #tpu.memory_space<vmem>>) target_semaphore(%run_scoped3A_150 : memref<!tpu.dma_semaphore, #tpu.memory_space<semaphore_mem>>)
      %dma_wait3A_163 = arith.constant 0 : i32
      %dma_wait3A_164 = arith.constant 0 : i32
      %dma_wait3A_165 = tpu.memref_slice %arg6[%run_scoped3A_19, %dma_wait3A_163, %dma_wait3A_164] : memref<2x128x256xf32, #tpu.memory_space<vmem>> -> memref<1x128x256xf32, #tpu.memory_space<vmem>>
      %dma_wait3A_166 = tpu.memref_squeeze %dma_wait3A_165 : memref<1x128x256xf32, #tpu.memory_space<vmem>> -> memref<128x256xf32, #tpu.memory_space<vmem>>
      %dma_wait3A_167 = arith.constant 0 : i32
      %dma_wait3A_168 = tpu.memref_slice %arg2[%add3A_18, %dma_wait3A_167] : memref<20480x256xf32, #tpu.memory_space<hbm>> -> memref<128x256xf32, #tpu.memory_space<hbm>>
      %dma_wait3A_169 = arith.constant 0 : i32
      %dma_wait3A_170 = arith.constant 0 : i32
      %dma_wait3A_171 = tpu.memref_slice %arg6[%run_scoped3A_19, %dma_wait3A_169, %dma_wait3A_170] : memref<2x128x256xf32, #tpu.memory_space<vmem>> -> memref<1x128x256xf32, #tpu.memory_space<vmem>>
      %dma_wait3A_172 = tpu.memref_squeeze %dma_wait3A_171 : memref<1x128x256xf32, #tpu.memory_space<vmem>> -> memref<128x256xf32, #tpu.memory_space<vmem>>
      %dma_wait3A_173 = arith.constant 0 : i32
      %dma_wait3A_174 = tpu.memref_slice %arg2[%add3A_18, %dma_wait3A_173] : memref<20480x256xf32, #tpu.memory_space<hbm>> -> memref<128x256xf32, #tpu.memory_space<hbm>>
      tpu.wait_dma2 semaphore(%run_scoped3A_150 : memref<!tpu.dma_semaphore, #tpu.memory_space<semaphore_mem>>) src(%dma_wait3A_174 : memref<128x256xf32, #tpu.memory_space<hbm>>) dst(%dma_wait3A_172 : memref<128x256xf32, #tpu.memory_space<vmem>>)
      tpu.yield
    }) : () -> ()
    %dma_start3A = arith.constant 0 : i32
    %dma_start3A_20 = arith.constant 0 : i32
    %dma_start3A_21 = arith.constant 0 : i32
    %dma_start3A_22 = arith.constant 0 : i32
    %dma_start3A_23 = tpu.memref_slice %arg6[%dma_start3A, %dma_start3A_21, %dma_start3A_22] : memref<2x128x256xf32, #tpu.memory_space<vmem>> -> memref<1x128x256xf32, #tpu.memory_space<vmem>>
    %dma_start3A_24 = tpu.memref_squeeze %dma_start3A_23 : memref<1x128x256xf32, #tpu.memory_space<vmem>> -> memref<128x256xf32, #tpu.memory_space<vmem>>
    %dma_start3A_25 = arith.constant 0 : i32
    %dma_start3A_26 = tpu.memref_slice %arg5[%dma_start3A_20, %dma_start3A_25] : memref<5x128xi32, #tpu.memory_space<vmem>> -> memref<1x128xi32, #tpu.memory_space<vmem>>
    %dma_start3A_27 = tpu.memref_squeeze %dma_start3A_26 : memref<1x128xi32, #tpu.memory_space<vmem>> -> memref<128xi32, #tpu.memory_space<vmem>>
    %dma_start3A_28 = arith.constant 0 : i32
    %dma_start3A_29 = arith.constant 0 : i32
    %dma_start3A_30 = tpu.memref_slice %arg4[%dma_start3A_28, %dma_start3A_29] : memref<16385x256xf32, #tpu.memory_space<hbm>> -> memref<16385x256xf32, #tpu.memory_space<hbm>>
    tpu.enqueue_indirect_dma source(%dma_start3A_24 : memref<128x256xf32, #tpu.memory_space<vmem>>) target(%dma_start3A_30 : memref<16385x256xf32, #tpu.memory_space<hbm>>) offsets(%dma_start3A_27 : memref<128xi32, #tpu.memory_space<vmem>>) semaphore(%arg7 : memref<!tpu.dma_semaphore, #tpu.memory_space<semaphore_mem>>)
    %add3A_31 = arith.constant 128 : i32
    %add3A_32 = arith.addi %mul3A_2, %add3A_31 : i32
    %run_scoped3A_33 = arith.constant 1 : i32
    "tpu.region"() ({
      %run_scoped3A_150 = tpu.sem_alloc : memref<!tpu.dma_semaphore, #tpu.memory_space<semaphore_mem>>
      %dma_start3A_151 = arith.constant 0 : i32
      %dma_start3A_152 = arith.constant 0 : i32
      %dma_start3A_153 = tpu.memref_slice %arg6[%run_scoped3A_33, %dma_start3A_151, %dma_start3A_152] : memref<2x128x256xf32, #tpu.memory_space<vmem>> -> memref<1x128x256xf32, #tpu.memory_space<vmem>>
      %dma_start3A_154 = tpu.memref_squeeze %dma_start3A_153 : memref<1x128x256xf32, #tpu.memory_space<vmem>> -> memref<128x256xf32, #tpu.memory_space<vmem>>
      %dma_start3A_155 = arith.constant 0 : i32
      %dma_start3A_156 = tpu.memref_slice %arg2[%add3A_32, %dma_start3A_155] : memref<20480x256xf32, #tpu.memory_space<hbm>> -> memref<128x256xf32, #tpu.memory_space<hbm>>
      %dma_start3A_157 = arith.constant 0 : i32
      %dma_start3A_158 = arith.constant 0 : i32
      %dma_start3A_159 = tpu.memref_slice %arg6[%run_scoped3A_33, %dma_start3A_157, %dma_start3A_158] : memref<2x128x256xf32, #tpu.memory_space<vmem>> -> memref<1x128x256xf32, #tpu.memory_space<vmem>>
      %dma_start3A_160 = tpu.memref_squeeze %dma_start3A_159 : memref<1x128x256xf32, #tpu.memory_space<vmem>> -> memref<128x256xf32, #tpu.memory_space<vmem>>
      %dma_start3A_161 = arith.constant 0 : i32
      %dma_start3A_162 = tpu.memref_slice %arg2[%add3A_32, %dma_start3A_161] : memref<20480x256xf32, #tpu.memory_space<hbm>> -> memref<128x256xf32, #tpu.memory_space<hbm>>
      tpu.enqueue_dma source(%dma_start3A_162 : memref<128x256xf32, #tpu.memory_space<hbm>>) target(%dma_start3A_160 : memref<128x256xf32, #tpu.memory_space<vmem>>) target_semaphore(%run_scoped3A_150 : memref<!tpu.dma_semaphore, #tpu.memory_space<semaphore_mem>>)
      %dma_wait3A_163 = arith.constant 0 : i32
      %dma_wait3A_164 = arith.constant 0 : i32
      %dma_wait3A_165 = tpu.memref_slice %arg6[%run_scoped3A_33, %dma_wait3A_163, %dma_wait3A_164] : memref<2x128x256xf32, #tpu.memory_space<vmem>> -> memref<1x128x256xf32, #tpu.memory_space<vmem>>
      %dma_wait3A_166 = tpu.memref_squeeze %dma_wait3A_165 : memref<1x128x256xf32, #tpu.memory_space<vmem>> -> memref<128x256xf32, #tpu.memory_space<vmem>>
      %dma_wait3A_167 = arith.constant 0 : i32
      %dma_wait3A_168 = tpu.memref_slice %arg2[%add3A_32, %dma_wait3A_167] : memref<20480x256xf32, #tpu.memory_space<hbm>> -> memref<128x256xf32, #tpu.memory_space<hbm>>
      %dma_wait3A_169 = arith.constant 0 : i32
      %dma_wait3A_170 = arith.constant 0 : i32
      %dma_wait3A_171 = tpu.memref_slice %arg6[%run_scoped3A_33, %dma_wait3A_169, %dma_wait3A_170] : memref<2x128x256xf32, #tpu.memory_space<vmem>> -> memref<1x128x256xf32, #tpu.memory_space<vmem>>
      %dma_wait3A_172 = tpu.memref_squeeze %dma_wait3A_171 : memref<1x128x256xf32, #tpu.memory_space<vmem>> -> memref<128x256xf32, #tpu.memory_space<vmem>>
      %dma_wait3A_173 = arith.constant 0 : i32
      %dma_wait3A_174 = tpu.memref_slice %arg2[%add3A_32, %dma_wait3A_173] : memref<20480x256xf32, #tpu.memory_space<hbm>> -> memref<128x256xf32, #tpu.memory_space<hbm>>
      tpu.wait_dma2 semaphore(%run_scoped3A_150 : memref<!tpu.dma_semaphore, #tpu.memory_space<semaphore_mem>>) src(%dma_wait3A_174 : memref<128x256xf32, #tpu.memory_space<hbm>>) dst(%dma_wait3A_172 : memref<128x256xf32, #tpu.memory_space<vmem>>)
      tpu.yield
    }) : () -> ()
    %dma_start3A_34 = arith.constant 1 : i32
    %dma_start3A_35 = arith.constant 1 : i32
    %dma_start3A_36 = arith.constant 0 : i32
    %dma_start3A_37 = arith.constant 0 : i32
    %dma_start3A_38 = tpu.memref_slice %arg6[%dma_start3A_34, %dma_start3A_36, %dma_start3A_37] : memref<2x128x256xf32, #tpu.memory_space<vmem>> -> memref<1x128x256xf32, #tpu.memory_space<vmem>>
    %dma_start3A_39 = tpu.memref_squeeze %dma_start3A_38 : memref<1x128x256xf32, #tpu.memory_space<vmem>> -> memref<128x256xf32, #tpu.memory_space<vmem>>
    %dma_start3A_40 = arith.constant 0 : i32
    %dma_start3A_41 = tpu.memref_slice %arg5[%dma_start3A_35, %dma_start3A_40] : memref<5x128xi32, #tpu.memory_space<vmem>> -> memref<1x128xi32, #tpu.memory_space<vmem>>
    %dma_start3A_42 = tpu.memref_squeeze %dma_start3A_41 : memref<1x128xi32, #tpu.memory_space<vmem>> -> memref<128xi32, #tpu.memory_space<vmem>>
    %dma_start3A_43 = arith.constant 0 : i32
    %dma_start3A_44 = arith.constant 0 : i32
    %dma_start3A_45 = tpu.memref_slice %arg4[%dma_start3A_43, %dma_start3A_44] : memref<16385x256xf32, #tpu.memory_space<hbm>> -> memref<16385x256xf32, #tpu.memory_space<hbm>>
    tpu.enqueue_indirect_dma source(%dma_start3A_39 : memref<128x256xf32, #tpu.memory_space<vmem>>) target(%dma_start3A_45 : memref<16385x256xf32, #tpu.memory_space<hbm>>) offsets(%dma_start3A_42 : memref<128xi32, #tpu.memory_space<vmem>>) semaphore(%arg7 : memref<!tpu.dma_semaphore, #tpu.memory_space<semaphore_mem>>)
    %dma_wait3A = arith.constant 0 : i32
    %dma_wait3A_46 = arith.constant 0 : i32
    %dma_wait3A_47 = arith.constant 0 : i32
    %dma_wait3A_48 = arith.constant 0 : i32
    %dma_wait3A_49 = tpu.memref_slice %arg6[%dma_wait3A, %dma_wait3A_47, %dma_wait3A_48] : memref<2x128x256xf32, #tpu.memory_space<vmem>> -> memref<1x128x256xf32, #tpu.memory_space<vmem>>
    %dma_wait3A_50 = tpu.memref_squeeze %dma_wait3A_49 : memref<1x128x256xf32, #tpu.memory_space<vmem>> -> memref<128x256xf32, #tpu.memory_space<vmem>>
    %dma_wait3A_51 = arith.constant 0 : i32
    %dma_wait3A_52 = tpu.memref_slice %arg5[%dma_wait3A_46, %dma_wait3A_51] : memref<5x128xi32, #tpu.memory_space<vmem>> -> memref<1x128xi32, #tpu.memory_space<vmem>>
    %dma_wait3A_53 = tpu.memref_squeeze %dma_wait3A_52 : memref<1x128xi32, #tpu.memory_space<vmem>> -> memref<128xi32, #tpu.memory_space<vmem>>
    %dma_wait3A_54 = arith.constant 0 : i32
    %dma_wait3A_55 = arith.constant 0 : i32
    %dma_wait3A_56 = tpu.memref_slice %arg4[%dma_wait3A_54, %dma_wait3A_55] : memref<16385x256xf32, #tpu.memory_space<hbm>> -> memref<16385x256xf32, #tpu.memory_space<hbm>>
    tpu.wait_indirect_dma semaphore(%arg7 : memref<!tpu.dma_semaphore, #tpu.memory_space<semaphore_mem>>) src(%dma_wait3A_50 : memref<128x256xf32, #tpu.memory_space<vmem>>) dst(%dma_wait3A_56 : memref<16385x256xf32, #tpu.memory_space<hbm>>)
    %add3A_57 = arith.constant 256 : i32
    %add3A_58 = arith.addi %mul3A_2, %add3A_57 : i32
    %run_scoped3A_59 = arith.constant 0 : i32
    "tpu.region"() ({
      %run_scoped3A_150 = tpu.sem_alloc : memref<!tpu.dma_semaphore, #tpu.memory_space<semaphore_mem>>
      %dma_start3A_151 = arith.constant 0 : i32
      %dma_start3A_152 = arith.constant 0 : i32
      %dma_start3A_153 = tpu.memref_slice %arg6[%run_scoped3A_59, %dma_start3A_151, %dma_start3A_152] : memref<2x128x256xf32, #tpu.memory_space<vmem>> -> memref<1x128x256xf32, #tpu.memory_space<vmem>>
      %dma_start3A_154 = tpu.memref_squeeze %dma_start3A_153 : memref<1x128x256xf32, #tpu.memory_space<vmem>> -> memref<128x256xf32, #tpu.memory_space<vmem>>
      %dma_start3A_155 = arith.constant 0 : i32
      %dma_start3A_156 = tpu.memref_slice %arg2[%add3A_58, %dma_start3A_155] : memref<20480x256xf32, #tpu.memory_space<hbm>> -> memref<128x256xf32, #tpu.memory_space<hbm>>
      %dma_start3A_157 = arith.constant 0 : i32
      %dma_start3A_158 = arith.constant 0 : i32
      %dma_start3A_159 = tpu.memref_slice %arg6[%run_scoped3A_59, %dma_start3A_157, %dma_start3A_158] : memref<2x128x256xf32, #tpu.memory_space<vmem>> -> memref<1x128x256xf32, #tpu.memory_space<vmem>>
      %dma_start3A_160 = tpu.memref_squeeze %dma_start3A_159 : memref<1x128x256xf32, #tpu.memory_space<vmem>> -> memref<128x256xf32, #tpu.memory_space<vmem>>
      %dma_start3A_161 = arith.constant 0 : i32
      %dma_start3A_162 = tpu.memref_slice %arg2[%add3A_58, %dma_start3A_161] : memref<20480x256xf32, #tpu.memory_space<hbm>> -> memref<128x256xf32, #tpu.memory_space<hbm>>
      tpu.enqueue_dma source(%dma_start3A_162 : memref<128x256xf32, #tpu.memory_space<hbm>>) target(%dma_start3A_160 : memref<128x256xf32, #tpu.memory_space<vmem>>) target_semaphore(%run_scoped3A_150 : memref<!tpu.dma_semaphore, #tpu.memory_space<semaphore_mem>>)
      %dma_wait3A_163 = arith.constant 0 : i32
      %dma_wait3A_164 = arith.constant 0 : i32
      %dma_wait3A_165 = tpu.memref_slice %arg6[%run_scoped3A_59, %dma_wait3A_163, %dma_wait3A_164] : memref<2x128x256xf32, #tpu.memory_space<vmem>> -> memref<1x128x256xf32, #tpu.memory_space<vmem>>
      %dma_wait3A_166 = tpu.memref_squeeze %dma_wait3A_165 : memref<1x128x256xf32, #tpu.memory_space<vmem>> -> memref<128x256xf32, #tpu.memory_space<vmem>>
      %dma_wait3A_167 = arith.constant 0 : i32
      %dma_wait3A_168 = tpu.memref_slice %arg2[%add3A_58, %dma_wait3A_167] : memref<20480x256xf32, #tpu.memory_space<hbm>> -> memref<128x256xf32, #tpu.memory_space<hbm>>
      %dma_wait3A_169 = arith.constant 0 : i32
      %dma_wait3A_170 = arith.constant 0 : i32
      %dma_wait3A_171 = tpu.memref_slice %arg6[%run_scoped3A_59, %dma_wait3A_169, %dma_wait3A_170] : memref<2x128x256xf32, #tpu.memory_space<vmem>> -> memref<1x128x256xf32, #tpu.memory_space<vmem>>
      %dma_wait3A_172 = tpu.memref_squeeze %dma_wait3A_171 : memref<1x128x256xf32, #tpu.memory_space<vmem>> -> memref<128x256xf32, #tpu.memory_space<vmem>>
      %dma_wait3A_173 = arith.constant 0 : i32
      %dma_wait3A_174 = tpu.memref_slice %arg2[%add3A_58, %dma_wait3A_173] : memref<20480x256xf32, #tpu.memory_space<hbm>> -> memref<128x256xf32, #tpu.memory_space<hbm>>
      tpu.wait_dma2 semaphore(%run_scoped3A_150 : memref<!tpu.dma_semaphore, #tpu.memory_space<semaphore_mem>>) src(%dma_wait3A_174 : memref<128x256xf32, #tpu.memory_space<hbm>>) dst(%dma_wait3A_172 : memref<128x256xf32, #tpu.memory_space<vmem>>)
      tpu.yield
    }) : () -> ()
    %dma_start3A_60 = arith.constant 0 : i32
    %dma_start3A_61 = arith.constant 2 : i32
    %dma_start3A_62 = arith.constant 0 : i32
    %dma_start3A_63 = arith.constant 0 : i32
    %dma_start3A_64 = tpu.memref_slice %arg6[%dma_start3A_60, %dma_start3A_62, %dma_start3A_63] : memref<2x128x256xf32, #tpu.memory_space<vmem>> -> memref<1x128x256xf32, #tpu.memory_space<vmem>>
    %dma_start3A_65 = tpu.memref_squeeze %dma_start3A_64 : memref<1x128x256xf32, #tpu.memory_space<vmem>> -> memref<128x256xf32, #tpu.memory_space<vmem>>
    %dma_start3A_66 = arith.constant 0 : i32
    %dma_start3A_67 = tpu.memref_slice %arg5[%dma_start3A_61, %dma_start3A_66] : memref<5x128xi32, #tpu.memory_space<vmem>> -> memref<1x128xi32, #tpu.memory_space<vmem>>
    %dma_start3A_68 = tpu.memref_squeeze %dma_start3A_67 : memref<1x128xi32, #tpu.memory_space<vmem>> -> memref<128xi32, #tpu.memory_space<vmem>>
    %dma_start3A_69 = arith.constant 0 : i32
    %dma_start3A_70 = arith.constant 0 : i32
    %dma_start3A_71 = tpu.memref_slice %arg4[%dma_start3A_69, %dma_start3A_70] : memref<16385x256xf32, #tpu.memory_space<hbm>> -> memref<16385x256xf32, #tpu.memory_space<hbm>>
    tpu.enqueue_indirect_dma source(%dma_start3A_65 : memref<128x256xf32, #tpu.memory_space<vmem>>) target(%dma_start3A_71 : memref<16385x256xf32, #tpu.memory_space<hbm>>) offsets(%dma_start3A_68 : memref<128xi32, #tpu.memory_space<vmem>>) semaphore(%arg7 : memref<!tpu.dma_semaphore, #tpu.memory_space<semaphore_mem>>)
    %dma_wait3A_72 = arith.constant 1 : i32
    %dma_wait3A_73 = arith.constant 1 : i32
    %dma_wait3A_74 = arith.constant 0 : i32
    %dma_wait3A_75 = arith.constant 0 : i32
    %dma_wait3A_76 = tpu.memref_slice %arg6[%dma_wait3A_72, %dma_wait3A_74, %dma_wait3A_75] : memref<2x128x256xf32, #tpu.memory_space<vmem>> -> memref<1x128x256xf32, #tpu.memory_space<vmem>>
    %dma_wait3A_77 = tpu.memref_squeeze %dma_wait3A_76 : memref<1x128x256xf32, #tpu.memory_space<vmem>> -> memref<128x256xf32, #tpu.memory_space<vmem>>
    %dma_wait3A_78 = arith.constant 0 : i32
    %dma_wait3A_79 = tpu.memref_slice %arg5[%dma_wait3A_73, %dma_wait3A_78] : memref<5x128xi32, #tpu.memory_space<vmem>> -> memref<1x128xi32, #tpu.memory_space<vmem>>
    %dma_wait3A_80 = tpu.memref_squeeze %dma_wait3A_79 : memref<1x128xi32, #tpu.memory_space<vmem>> -> memref<128xi32, #tpu.memory_space<vmem>>
    %dma_wait3A_81 = arith.constant 0 : i32
    %dma_wait3A_82 = arith.constant 0 : i32
    %dma_wait3A_83 = tpu.memref_slice %arg4[%dma_wait3A_81, %dma_wait3A_82] : memref<16385x256xf32, #tpu.memory_space<hbm>> -> memref<16385x256xf32, #tpu.memory_space<hbm>>
    tpu.wait_indirect_dma semaphore(%arg7 : memref<!tpu.dma_semaphore, #tpu.memory_space<semaphore_mem>>) src(%dma_wait3A_77 : memref<128x256xf32, #tpu.memory_space<vmem>>) dst(%dma_wait3A_83 : memref<16385x256xf32, #tpu.memory_space<hbm>>)
    %add3A_84 = arith.constant 384 : i32
    %add3A_85 = arith.addi %mul3A_2, %add3A_84 : i32
    %run_scoped3A_86 = arith.constant 1 : i32
    "tpu.region"() ({
      %run_scoped3A_150 = tpu.sem_alloc : memref<!tpu.dma_semaphore, #tpu.memory_space<semaphore_mem>>
      %dma_start3A_151 = arith.constant 0 : i32
      %dma_start3A_152 = arith.constant 0 : i32
      %dma_start3A_153 = tpu.memref_slice %arg6[%run_scoped3A_86, %dma_start3A_151, %dma_start3A_152] : memref<2x128x256xf32, #tpu.memory_space<vmem>> -> memref<1x128x256xf32, #tpu.memory_space<vmem>>
      %dma_start3A_154 = tpu.memref_squeeze %dma_start3A_153 : memref<1x128x256xf32, #tpu.memory_space<vmem>> -> memref<128x256xf32, #tpu.memory_space<vmem>>
      %dma_start3A_155 = arith.constant 0 : i32
      %dma_start3A_156 = tpu.memref_slice %arg2[%add3A_85, %dma_start3A_155] : memref<20480x256xf32, #tpu.memory_space<hbm>> -> memref<128x256xf32, #tpu.memory_space<hbm>>
      %dma_start3A_157 = arith.constant 0 : i32
      %dma_start3A_158 = arith.constant 0 : i32
      %dma_start3A_159 = tpu.memref_slice %arg6[%run_scoped3A_86, %dma_start3A_157, %dma_start3A_158] : memref<2x128x256xf32, #tpu.memory_space<vmem>> -> memref<1x128x256xf32, #tpu.memory_space<vmem>>
      %dma_start3A_160 = tpu.memref_squeeze %dma_start3A_159 : memref<1x128x256xf32, #tpu.memory_space<vmem>> -> memref<128x256xf32, #tpu.memory_space<vmem>>
      %dma_start3A_161 = arith.constant 0 : i32
      %dma_start3A_162 = tpu.memref_slice %arg2[%add3A_85, %dma_start3A_161] : memref<20480x256xf32, #tpu.memory_space<hbm>> -> memref<128x256xf32, #tpu.memory_space<hbm>>
      tpu.enqueue_dma source(%dma_start3A_162 : memref<128x256xf32, #tpu.memory_space<hbm>>) target(%dma_start3A_160 : memref<128x256xf32, #tpu.memory_space<vmem>>) target_semaphore(%run_scoped3A_150 : memref<!tpu.dma_semaphore, #tpu.memory_space<semaphore_mem>>)
      %dma_wait3A_163 = arith.constant 0 : i32
      %dma_wait3A_164 = arith.constant 0 : i32
      %dma_wait3A_165 = tpu.memref_slice %arg6[%run_scoped3A_86, %dma_wait3A_163, %dma_wait3A_164] : memref<2x128x256xf32, #tpu.memory_space<vmem>> -> memref<1x128x256xf32, #tpu.memory_space<vmem>>
      %dma_wait3A_166 = tpu.memref_squeeze %dma_wait3A_165 : memref<1x128x256xf32, #tpu.memory_space<vmem>> -> memref<128x256xf32, #tpu.memory_space<vmem>>
      %dma_wait3A_167 = arith.constant 0 : i32
      %dma_wait3A_168 = tpu.memref_slice %arg2[%add3A_85, %dma_wait3A_167] : memref<20480x256xf32, #tpu.memory_space<hbm>> -> memref<128x256xf32, #tpu.memory_space<hbm>>
      %dma_wait3A_169 = arith.constant 0 : i32
      %dma_wait3A_170 = arith.constant 0 : i32
      %dma_wait3A_171 = tpu.memref_slice %arg6[%run_scoped3A_86, %dma_wait3A_169, %dma_wait3A_170] : memref<2x128x256xf32, #tpu.memory_space<vmem>> -> memref<1x128x256xf32, #tpu.memory_space<vmem>>
      %dma_wait3A_172 = tpu.memref_squeeze %dma_wait3A_171 : memref<1x128x256xf32, #tpu.memory_space<vmem>> -> memref<128x256xf32, #tpu.memory_space<vmem>>
      %dma_wait3A_173 = arith.constant 0 : i32
      %dma_wait3A_174 = tpu.memref_slice %arg2[%add3A_85, %dma_wait3A_173] : memref<20480x256xf32, #tpu.memory_space<hbm>> -> memref<128x256xf32, #tpu.memory_space<hbm>>
      tpu.wait_dma2 semaphore(%run_scoped3A_150 : memref<!tpu.dma_semaphore, #tpu.memory_space<semaphore_mem>>) src(%dma_wait3A_174 : memref<128x256xf32, #tpu.memory_space<hbm>>) dst(%dma_wait3A_172 : memref<128x256xf32, #tpu.memory_space<vmem>>)
      tpu.yield
    }) : () -> ()
    %dma_start3A_87 = arith.constant 1 : i32
    %dma_start3A_88 = arith.constant 3 : i32
    %dma_start3A_89 = arith.constant 0 : i32
    %dma_start3A_90 = arith.constant 0 : i32
    %dma_start3A_91 = tpu.memref_slice %arg6[%dma_start3A_87, %dma_start3A_89, %dma_start3A_90] : memref<2x128x256xf32, #tpu.memory_space<vmem>> -> memref<1x128x256xf32, #tpu.memory_space<vmem>>
    %dma_start3A_92 = tpu.memref_squeeze %dma_start3A_91 : memref<1x128x256xf32, #tpu.memory_space<vmem>> -> memref<128x256xf32, #tpu.memory_space<vmem>>
    %dma_start3A_93 = arith.constant 0 : i32
    %dma_start3A_94 = tpu.memref_slice %arg5[%dma_start3A_88, %dma_start3A_93] : memref<5x128xi32, #tpu.memory_space<vmem>> -> memref<1x128xi32, #tpu.memory_space<vmem>>
    %dma_start3A_95 = tpu.memref_squeeze %dma_start3A_94 : memref<1x128xi32, #tpu.memory_space<vmem>> -> memref<128xi32, #tpu.memory_space<vmem>>
    %dma_start3A_96 = arith.constant 0 : i32
    %dma_start3A_97 = arith.constant 0 : i32
    %dma_start3A_98 = tpu.memref_slice %arg4[%dma_start3A_96, %dma_start3A_97] : memref<16385x256xf32, #tpu.memory_space<hbm>> -> memref<16385x256xf32, #tpu.memory_space<hbm>>
    tpu.enqueue_indirect_dma source(%dma_start3A_92 : memref<128x256xf32, #tpu.memory_space<vmem>>) target(%dma_start3A_98 : memref<16385x256xf32, #tpu.memory_space<hbm>>) offsets(%dma_start3A_95 : memref<128xi32, #tpu.memory_space<vmem>>) semaphore(%arg7 : memref<!tpu.dma_semaphore, #tpu.memory_space<semaphore_mem>>)
    %dma_wait3A_99 = arith.constant 0 : i32
    %dma_wait3A_100 = arith.constant 2 : i32
    %dma_wait3A_101 = arith.constant 0 : i32
    %dma_wait3A_102 = arith.constant 0 : i32
    %dma_wait3A_103 = tpu.memref_slice %arg6[%dma_wait3A_99, %dma_wait3A_101, %dma_wait3A_102] : memref<2x128x256xf32, #tpu.memory_space<vmem>> -> memref<1x128x256xf32, #tpu.memory_space<vmem>>
    %dma_wait3A_104 = tpu.memref_squeeze %dma_wait3A_103 : memref<1x128x256xf32, #tpu.memory_space<vmem>> -> memref<128x256xf32, #tpu.memory_space<vmem>>
    %dma_wait3A_105 = arith.constant 0 : i32
    %dma_wait3A_106 = tpu.memref_slice %arg5[%dma_wait3A_100, %dma_wait3A_105] : memref<5x128xi32, #tpu.memory_space<vmem>> -> memref<1x128xi32, #tpu.memory_space<vmem>>
    %dma_wait3A_107 = tpu.memref_squeeze %dma_wait3A_106 : memref<1x128xi32, #tpu.memory_space<vmem>> -> memref<128xi32, #tpu.memory_space<vmem>>
    %dma_wait3A_108 = arith.constant 0 : i32
    %dma_wait3A_109 = arith.constant 0 : i32
    %dma_wait3A_110 = tpu.memref_slice %arg4[%dma_wait3A_108, %dma_wait3A_109] : memref<16385x256xf32, #tpu.memory_space<hbm>> -> memref<16385x256xf32, #tpu.memory_space<hbm>>
    tpu.wait_indirect_dma semaphore(%arg7 : memref<!tpu.dma_semaphore, #tpu.memory_space<semaphore_mem>>) src(%dma_wait3A_104 : memref<128x256xf32, #tpu.memory_space<vmem>>) dst(%dma_wait3A_110 : memref<16385x256xf32, #tpu.memory_space<hbm>>)
    %add3A_111 = arith.constant 512 : i32
    %add3A_112 = arith.addi %mul3A_2, %add3A_111 : i32
    %run_scoped3A_113 = arith.constant 0 : i32
    "tpu.region"() ({
      %run_scoped3A_150 = tpu.sem_alloc : memref<!tpu.dma_semaphore, #tpu.memory_space<semaphore_mem>>
      %dma_start3A_151 = arith.constant 0 : i32
      %dma_start3A_152 = arith.constant 0 : i32
      %dma_start3A_153 = tpu.memref_slice %arg6[%run_scoped3A_113, %dma_start3A_151, %dma_start3A_152] : memref<2x128x256xf32, #tpu.memory_space<vmem>> -> memref<1x128x256xf32, #tpu.memory_space<vmem>>
      %dma_start3A_154 = tpu.memref_squeeze %dma_start3A_153 : memref<1x128x256xf32, #tpu.memory_space<vmem>> -> memref<128x256xf32, #tpu.memory_space<vmem>>
      %dma_start3A_155 = arith.constant 0 : i32
      %dma_start3A_156 = tpu.memref_slice %arg2[%add3A_112, %dma_start3A_155] : memref<20480x256xf32, #tpu.memory_space<hbm>> -> memref<128x256xf32, #tpu.memory_space<hbm>>
      %dma_start3A_157 = arith.constant 0 : i32
      %dma_start3A_158 = arith.constant 0 : i32
      %dma_start3A_159 = tpu.memref_slice %arg6[%run_scoped3A_113, %dma_start3A_157, %dma_start3A_158] : memref<2x128x256xf32, #tpu.memory_space<vmem>> -> memref<1x128x256xf32, #tpu.memory_space<vmem>>
      %dma_start3A_160 = tpu.memref_squeeze %dma_start3A_159 : memref<1x128x256xf32, #tpu.memory_space<vmem>> -> memref<128x256xf32, #tpu.memory_space<vmem>>
      %dma_start3A_161 = arith.constant 0 : i32
      %dma_start3A_162 = tpu.memref_slice %arg2[%add3A_112, %dma_start3A_161] : memref<20480x256xf32, #tpu.memory_space<hbm>> -> memref<128x256xf32, #tpu.memory_space<hbm>>
      tpu.enqueue_dma source(%dma_start3A_162 : memref<128x256xf32, #tpu.memory_space<hbm>>) target(%dma_start3A_160 : memref<128x256xf32, #tpu.memory_space<vmem>>) target_semaphore(%run_scoped3A_150 : memref<!tpu.dma_semaphore, #tpu.memory_space<semaphore_mem>>)
      %dma_wait3A_163 = arith.constant 0 : i32
      %dma_wait3A_164 = arith.constant 0 : i32
      %dma_wait3A_165 = tpu.memref_slice %arg6[%run_scoped3A_113, %dma_wait3A_163, %dma_wait3A_164] : memref<2x128x256xf32, #tpu.memory_space<vmem>> -> memref<1x128x256xf32, #tpu.memory_space<vmem>>
      %dma_wait3A_166 = tpu.memref_squeeze %dma_wait3A_165 : memref<1x128x256xf32, #tpu.memory_space<vmem>> -> memref<128x256xf32, #tpu.memory_space<vmem>>
      %dma_wait3A_167 = arith.constant 0 : i32
      %dma_wait3A_168 = tpu.memref_slice %arg2[%add3A_112, %dma_wait3A_167] : memref<20480x256xf32, #tpu.memory_space<hbm>> -> memref<128x256xf32, #tpu.memory_space<hbm>>
      %dma_wait3A_169 = arith.constant 0 : i32
      %dma_wait3A_170 = arith.constant 0 : i32
      %dma_wait3A_171 = tpu.memref_slice %arg6[%run_scoped3A_113, %dma_wait3A_169, %dma_wait3A_170] : memref<2x128x256xf32, #tpu.memory_space<vmem>> -> memref<1x128x256xf32, #tpu.memory_space<vmem>>
      %dma_wait3A_172 = tpu.memref_squeeze %dma_wait3A_171 : memref<1x128x256xf32, #tpu.memory_space<vmem>> -> memref<128x256xf32, #tpu.memory_space<vmem>>
      %dma_wait3A_173 = arith.constant 0 : i32
      %dma_wait3A_174 = tpu.memref_slice %arg2[%add3A_112, %dma_wait3A_173] : memref<20480x256xf32, #tpu.memory_space<hbm>> -> memref<128x256xf32, #tpu.memory_space<hbm>>
      tpu.wait_dma2 semaphore(%run_scoped3A_150 : memref<!tpu.dma_semaphore, #tpu.memory_space<semaphore_mem>>) src(%dma_wait3A_174 : memref<128x256xf32, #tpu.memory_space<hbm>>) dst(%dma_wait3A_172 : memref<128x256xf32, #tpu.memory_space<vmem>>)
      tpu.yield
    }) : () -> ()
    %dma_start3A_114 = arith.constant 0 : i32
    %dma_start3A_115 = arith.constant 4 : i32
    %dma_start3A_116 = arith.constant 0 : i32
    %dma_start3A_117 = arith.constant 0 : i32
    %dma_start3A_118 = tpu.memref_slice %arg6[%dma_start3A_114, %dma_start3A_116, %dma_start3A_117] : memref<2x128x256xf32, #tpu.memory_space<vmem>> -> memref<1x128x256xf32, #tpu.memory_space<vmem>>
    %dma_start3A_119 = tpu.memref_squeeze %dma_start3A_118 : memref<1x128x256xf32, #tpu.memory_space<vmem>> -> memref<128x256xf32, #tpu.memory_space<vmem>>
    %dma_start3A_120 = arith.constant 0 : i32
    %dma_start3A_121 = tpu.memref_slice %arg5[%dma_start3A_115, %dma_start3A_120] : memref<5x128xi32, #tpu.memory_space<vmem>> -> memref<1x128xi32, #tpu.memory_space<vmem>>
    %dma_start3A_122 = tpu.memref_squeeze %dma_start3A_121 : memref<1x128xi32, #tpu.memory_space<vmem>> -> memref<128xi32, #tpu.memory_space<vmem>>
    %dma_start3A_123 = arith.constant 0 : i32
    %dma_start3A_124 = arith.constant 0 : i32
    %dma_start3A_125 = tpu.memref_slice %arg4[%dma_start3A_123, %dma_start3A_124] : memref<16385x256xf32, #tpu.memory_space<hbm>> -> memref<16385x256xf32, #tpu.memory_space<hbm>>
    tpu.enqueue_indirect_dma source(%dma_start3A_119 : memref<128x256xf32, #tpu.memory_space<vmem>>) target(%dma_start3A_125 : memref<16385x256xf32, #tpu.memory_space<hbm>>) offsets(%dma_start3A_122 : memref<128xi32, #tpu.memory_space<vmem>>) semaphore(%arg7 : memref<!tpu.dma_semaphore, #tpu.memory_space<semaphore_mem>>)
    %dma_wait3A_126 = arith.constant 1 : i32
    %dma_wait3A_127 = arith.constant 3 : i32
    %dma_wait3A_128 = arith.constant 0 : i32
    %dma_wait3A_129 = arith.constant 0 : i32
    %dma_wait3A_130 = tpu.memref_slice %arg6[%dma_wait3A_126, %dma_wait3A_128, %dma_wait3A_129] : memref<2x128x256xf32, #tpu.memory_space<vmem>> -> memref<1x128x256xf32, #tpu.memory_space<vmem>>
    %dma_wait3A_131 = tpu.memref_squeeze %dma_wait3A_130 : memref<1x128x256xf32, #tpu.memory_space<vmem>> -> memref<128x256xf32, #tpu.memory_space<vmem>>
    %dma_wait3A_132 = arith.constant 0 : i32
    %dma_wait3A_133 = tpu.memref_slice %arg5[%dma_wait3A_127, %dma_wait3A_132] : memref<5x128xi32, #tpu.memory_space<vmem>> -> memref<1x128xi32, #tpu.memory_space<vmem>>
    %dma_wait3A_134 = tpu.memref_squeeze %dma_wait3A_133 : memref<1x128xi32, #tpu.memory_space<vmem>> -> memref<128xi32, #tpu.memory_space<vmem>>
    %dma_wait3A_135 = arith.constant 0 : i32
    %dma_wait3A_136 = arith.constant 0 : i32
    %dma_wait3A_137 = tpu.memref_slice %arg4[%dma_wait3A_135, %dma_wait3A_136] : memref<16385x256xf32, #tpu.memory_space<hbm>> -> memref<16385x256xf32, #tpu.memory_space<hbm>>
    tpu.wait_indirect_dma semaphore(%arg7 : memref<!tpu.dma_semaphore, #tpu.memory_space<semaphore_mem>>) src(%dma_wait3A_131 : memref<128x256xf32, #tpu.memory_space<vmem>>) dst(%dma_wait3A_137 : memref<16385x256xf32, #tpu.memory_space<hbm>>)
    %dma_wait3A_138 = arith.constant 0 : i32
    %dma_wait3A_139 = arith.constant 4 : i32
    %dma_wait3A_140 = arith.constant 0 : i32
    %dma_wait3A_141 = arith.constant 0 : i32
    %dma_wait3A_142 = tpu.memref_slice %arg6[%dma_wait3A_138, %dma_wait3A_140, %dma_wait3A_141] : memref<2x128x256xf32, #tpu.memory_space<vmem>> -> memref<1x128x256xf32, #tpu.memory_space<vmem>>
    %dma_wait3A_143 = tpu.memref_squeeze %dma_wait3A_142 : memref<1x128x256xf32, #tpu.memory_space<vmem>> -> memref<128x256xf32, #tpu.memory_space<vmem>>
    %dma_wait3A_144 = arith.constant 0 : i32
    %dma_wait3A_145 = tpu.memref_slice %arg5[%dma_wait3A_139, %dma_wait3A_144] : memref<5x128xi32, #tpu.memory_space<vmem>> -> memref<1x128xi32, #tpu.memory_space<vmem>>
    %dma_wait3A_146 = tpu.memref_squeeze %dma_wait3A_145 : memref<1x128xi32, #tpu.memory_space<vmem>> -> memref<128xi32, #tpu.memory_space<vmem>>
    %dma_wait3A_147 = arith.constant 0 : i32
    %dma_wait3A_148 = arith.constant 0 : i32
    %dma_wait3A_149 = tpu.memref_slice %arg4[%dma_wait3A_147, %dma_wait3A_148] : memref<16385x256xf32, #tpu.memory_space<hbm>> -> memref<16385x256xf32, #tpu.memory_space<hbm>>
    tpu.wait_indirect_dma semaphore(%arg7 : memref<!tpu.dma_semaphore, #tpu.memory_space<semaphore_mem>>) src(%dma_wait3A_143 : memref<128x256xf32, #tpu.memory_space<vmem>>) dst(%dma_wait3A_149 : memref<16385x256xf32, #tpu.memory_space<hbm>>)
    return
  }
}

#map = affine_map<(d0, d1) -> (0, 0)>
#map1 = affine_map<(d0, d1) -> (0)>
module attributes {stable_mosaic.version = 14 : i64} {
  func.func @_gather_body(%arg0: i32, %arg1: i32, %arg2: memref<16385x128xf32, #tpu.memory_space<hbm>>, %arg3: memref<20480xi32, #tpu.memory_space<hbm>>, %arg4: memref<20480x128xf32, #tpu.memory_space<hbm>>, %arg5: memref<5x128xi32, #tpu.memory_space<vmem>>, %arg6: memref<640x128xf32, #tpu.memory_space<vmem>>, %arg7: memref<!tpu.dma_semaphore, #tpu.memory_space<semaphore_mem>>) attributes {dimension_semantics = [#tpu.dimension_semantics<core_parallel>, #tpu.dimension_semantics<subcore_parallel>], iteration_bounds = array<i64: 2, 16>, scalar_prefetch = 0 : i64, scratch_operands = 3 : i64, tpu.core_type = #tpu.core_type<sc_vector_subcore>, window_params = [{transform_indices = #map}, {transform_indices = #map1}, {transform_indices = #map}]} {
    %mul3A = arith.constant 2 : i32
    %mul3A_0 = arith.muli %arg1, %mul3A : i32
    %add3A = arith.addi %mul3A_0, %arg0 : i32
    %mul3A_1 = arith.constant 640 : i32
    %mul3A_2 = arith.muli %add3A, %mul3A_1 : i32
    %add3A_3 = arith.constant 0 : i32
    %add3A_4 = arith.addi %mul3A_2, %add3A_3 : i32
    %run_scoped3A = arith.constant 0 : i32
    "tpu.region"() ({
      %run_scoped3A_115 = tpu.sem_alloc : memref<!tpu.dma_semaphore, #tpu.memory_space<semaphore_mem>>
      %dma_start3A_116 = arith.constant 0 : i32
      %dma_start3A_117 = tpu.memref_slice %arg5[%run_scoped3A, %dma_start3A_116] : memref<5x128xi32, #tpu.memory_space<vmem>> -> memref<1x128xi32, #tpu.memory_space<vmem>>
      %dma_start3A_118 = tpu.memref_squeeze %dma_start3A_117 : memref<1x128xi32, #tpu.memory_space<vmem>> -> memref<128xi32, #tpu.memory_space<vmem>>
      %dma_start3A_119 = tpu.memref_slice %arg3[%add3A_4] : memref<20480xi32, #tpu.memory_space<hbm>> -> memref<128xi32, #tpu.memory_space<hbm>>
      %dma_start3A_120 = arith.constant 0 : i32
      %dma_start3A_121 = tpu.memref_slice %arg5[%run_scoped3A, %dma_start3A_120] : memref<5x128xi32, #tpu.memory_space<vmem>> -> memref<1x128xi32, #tpu.memory_space<vmem>>
      %dma_start3A_122 = tpu.memref_squeeze %dma_start3A_121 : memref<1x128xi32, #tpu.memory_space<vmem>> -> memref<128xi32, #tpu.memory_space<vmem>>
      %dma_start3A_123 = tpu.memref_slice %arg3[%add3A_4] : memref<20480xi32, #tpu.memory_space<hbm>> -> memref<128xi32, #tpu.memory_space<hbm>>
      tpu.enqueue_dma source(%dma_start3A_123 : memref<128xi32, #tpu.memory_space<hbm>>) target(%dma_start3A_122 : memref<128xi32, #tpu.memory_space<vmem>>) target_semaphore(%run_scoped3A_115 : memref<!tpu.dma_semaphore, #tpu.memory_space<semaphore_mem>>)
      %dma_wait3A_124 = arith.constant 0 : i32
      %dma_wait3A_125 = tpu.memref_slice %arg5[%run_scoped3A, %dma_wait3A_124] : memref<5x128xi32, #tpu.memory_space<vmem>> -> memref<1x128xi32, #tpu.memory_space<vmem>>
      %dma_wait3A_126 = tpu.memref_squeeze %dma_wait3A_125 : memref<1x128xi32, #tpu.memory_space<vmem>> -> memref<128xi32, #tpu.memory_space<vmem>>
      %dma_wait3A_127 = tpu.memref_slice %arg3[%add3A_4] : memref<20480xi32, #tpu.memory_space<hbm>> -> memref<128xi32, #tpu.memory_space<hbm>>
      %dma_wait3A_128 = arith.constant 0 : i32
      %dma_wait3A_129 = tpu.memref_slice %arg5[%run_scoped3A, %dma_wait3A_128] : memref<5x128xi32, #tpu.memory_space<vmem>> -> memref<1x128xi32, #tpu.memory_space<vmem>>
      %dma_wait3A_130 = tpu.memref_squeeze %dma_wait3A_129 : memref<1x128xi32, #tpu.memory_space<vmem>> -> memref<128xi32, #tpu.memory_space<vmem>>
      %dma_wait3A_131 = tpu.memref_slice %arg3[%add3A_4] : memref<20480xi32, #tpu.memory_space<hbm>> -> memref<128xi32, #tpu.memory_space<hbm>>
      tpu.wait_dma2 semaphore(%run_scoped3A_115 : memref<!tpu.dma_semaphore, #tpu.memory_space<semaphore_mem>>) src(%dma_wait3A_131 : memref<128xi32, #tpu.memory_space<hbm>>) dst(%dma_wait3A_130 : memref<128xi32, #tpu.memory_space<vmem>>)
      tpu.yield
    }) : () -> ()
    %add3A_5 = arith.constant 128 : i32
    %add3A_6 = arith.addi %mul3A_2, %add3A_5 : i32
    %run_scoped3A_7 = arith.constant 1 : i32
    "tpu.region"() ({
      %run_scoped3A_115 = tpu.sem_alloc : memref<!tpu.dma_semaphore, #tpu.memory_space<semaphore_mem>>
      %dma_start3A_116 = arith.constant 0 : i32
      %dma_start3A_117 = tpu.memref_slice %arg5[%run_scoped3A_7, %dma_start3A_116] : memref<5x128xi32, #tpu.memory_space<vmem>> -> memref<1x128xi32, #tpu.memory_space<vmem>>
      %dma_start3A_118 = tpu.memref_squeeze %dma_start3A_117 : memref<1x128xi32, #tpu.memory_space<vmem>> -> memref<128xi32, #tpu.memory_space<vmem>>
      %dma_start3A_119 = tpu.memref_slice %arg3[%add3A_6] : memref<20480xi32, #tpu.memory_space<hbm>> -> memref<128xi32, #tpu.memory_space<hbm>>
      %dma_start3A_120 = arith.constant 0 : i32
      %dma_start3A_121 = tpu.memref_slice %arg5[%run_scoped3A_7, %dma_start3A_120] : memref<5x128xi32, #tpu.memory_space<vmem>> -> memref<1x128xi32, #tpu.memory_space<vmem>>
      %dma_start3A_122 = tpu.memref_squeeze %dma_start3A_121 : memref<1x128xi32, #tpu.memory_space<vmem>> -> memref<128xi32, #tpu.memory_space<vmem>>
      %dma_start3A_123 = tpu.memref_slice %arg3[%add3A_6] : memref<20480xi32, #tpu.memory_space<hbm>> -> memref<128xi32, #tpu.memory_space<hbm>>
      tpu.enqueue_dma source(%dma_start3A_123 : memref<128xi32, #tpu.memory_space<hbm>>) target(%dma_start3A_122 : memref<128xi32, #tpu.memory_space<vmem>>) target_semaphore(%run_scoped3A_115 : memref<!tpu.dma_semaphore, #tpu.memory_space<semaphore_mem>>)
      %dma_wait3A_124 = arith.constant 0 : i32
      %dma_wait3A_125 = tpu.memref_slice %arg5[%run_scoped3A_7, %dma_wait3A_124] : memref<5x128xi32, #tpu.memory_space<vmem>> -> memref<1x128xi32, #tpu.memory_space<vmem>>
      %dma_wait3A_126 = tpu.memref_squeeze %dma_wait3A_125 : memref<1x128xi32, #tpu.memory_space<vmem>> -> memref<128xi32, #tpu.memory_space<vmem>>
      %dma_wait3A_127 = tpu.memref_slice %arg3[%add3A_6] : memref<20480xi32, #tpu.memory_space<hbm>> -> memref<128xi32, #tpu.memory_space<hbm>>
      %dma_wait3A_128 = arith.constant 0 : i32
      %dma_wait3A_129 = tpu.memref_slice %arg5[%run_scoped3A_7, %dma_wait3A_128] : memref<5x128xi32, #tpu.memory_space<vmem>> -> memref<1x128xi32, #tpu.memory_space<vmem>>
      %dma_wait3A_130 = tpu.memref_squeeze %dma_wait3A_129 : memref<1x128xi32, #tpu.memory_space<vmem>> -> memref<128xi32, #tpu.memory_space<vmem>>
      %dma_wait3A_131 = tpu.memref_slice %arg3[%add3A_6] : memref<20480xi32, #tpu.memory_space<hbm>> -> memref<128xi32, #tpu.memory_space<hbm>>
      tpu.wait_dma2 semaphore(%run_scoped3A_115 : memref<!tpu.dma_semaphore, #tpu.memory_space<semaphore_mem>>) src(%dma_wait3A_131 : memref<128xi32, #tpu.memory_space<hbm>>) dst(%dma_wait3A_130 : memref<128xi32, #tpu.memory_space<vmem>>)
      tpu.yield
    }) : () -> ()
    %add3A_8 = arith.constant 256 : i32
    %add3A_9 = arith.addi %mul3A_2, %add3A_8 : i32
    %run_scoped3A_10 = arith.constant 2 : i32
    "tpu.region"() ({
      %run_scoped3A_115 = tpu.sem_alloc : memref<!tpu.dma_semaphore, #tpu.memory_space<semaphore_mem>>
      %dma_start3A_116 = arith.constant 0 : i32
      %dma_start3A_117 = tpu.memref_slice %arg5[%run_scoped3A_10, %dma_start3A_116] : memref<5x128xi32, #tpu.memory_space<vmem>> -> memref<1x128xi32, #tpu.memory_space<vmem>>
      %dma_start3A_118 = tpu.memref_squeeze %dma_start3A_117 : memref<1x128xi32, #tpu.memory_space<vmem>> -> memref<128xi32, #tpu.memory_space<vmem>>
      %dma_start3A_119 = tpu.memref_slice %arg3[%add3A_9] : memref<20480xi32, #tpu.memory_space<hbm>> -> memref<128xi32, #tpu.memory_space<hbm>>
      %dma_start3A_120 = arith.constant 0 : i32
      %dma_start3A_121 = tpu.memref_slice %arg5[%run_scoped3A_10, %dma_start3A_120] : memref<5x128xi32, #tpu.memory_space<vmem>> -> memref<1x128xi32, #tpu.memory_space<vmem>>
      %dma_start3A_122 = tpu.memref_squeeze %dma_start3A_121 : memref<1x128xi32, #tpu.memory_space<vmem>> -> memref<128xi32, #tpu.memory_space<vmem>>
      %dma_start3A_123 = tpu.memref_slice %arg3[%add3A_9] : memref<20480xi32, #tpu.memory_space<hbm>> -> memref<128xi32, #tpu.memory_space<hbm>>
      tpu.enqueue_dma source(%dma_start3A_123 : memref<128xi32, #tpu.memory_space<hbm>>) target(%dma_start3A_122 : memref<128xi32, #tpu.memory_space<vmem>>) target_semaphore(%run_scoped3A_115 : memref<!tpu.dma_semaphore, #tpu.memory_space<semaphore_mem>>)
      %dma_wait3A_124 = arith.constant 0 : i32
      %dma_wait3A_125 = tpu.memref_slice %arg5[%run_scoped3A_10, %dma_wait3A_124] : memref<5x128xi32, #tpu.memory_space<vmem>> -> memref<1x128xi32, #tpu.memory_space<vmem>>
      %dma_wait3A_126 = tpu.memref_squeeze %dma_wait3A_125 : memref<1x128xi32, #tpu.memory_space<vmem>> -> memref<128xi32, #tpu.memory_space<vmem>>
      %dma_wait3A_127 = tpu.memref_slice %arg3[%add3A_9] : memref<20480xi32, #tpu.memory_space<hbm>> -> memref<128xi32, #tpu.memory_space<hbm>>
      %dma_wait3A_128 = arith.constant 0 : i32
      %dma_wait3A_129 = tpu.memref_slice %arg5[%run_scoped3A_10, %dma_wait3A_128] : memref<5x128xi32, #tpu.memory_space<vmem>> -> memref<1x128xi32, #tpu.memory_space<vmem>>
      %dma_wait3A_130 = tpu.memref_squeeze %dma_wait3A_129 : memref<1x128xi32, #tpu.memory_space<vmem>> -> memref<128xi32, #tpu.memory_space<vmem>>
      %dma_wait3A_131 = tpu.memref_slice %arg3[%add3A_9] : memref<20480xi32, #tpu.memory_space<hbm>> -> memref<128xi32, #tpu.memory_space<hbm>>
      tpu.wait_dma2 semaphore(%run_scoped3A_115 : memref<!tpu.dma_semaphore, #tpu.memory_space<semaphore_mem>>) src(%dma_wait3A_131 : memref<128xi32, #tpu.memory_space<hbm>>) dst(%dma_wait3A_130 : memref<128xi32, #tpu.memory_space<vmem>>)
      tpu.yield
    }) : () -> ()
    %add3A_11 = arith.constant 384 : i32
    %add3A_12 = arith.addi %mul3A_2, %add3A_11 : i32
    %run_scoped3A_13 = arith.constant 3 : i32
    "tpu.region"() ({
      %run_scoped3A_115 = tpu.sem_alloc : memref<!tpu.dma_semaphore, #tpu.memory_space<semaphore_mem>>
      %dma_start3A_116 = arith.constant 0 : i32
      %dma_start3A_117 = tpu.memref_slice %arg5[%run_scoped3A_13, %dma_start3A_116] : memref<5x128xi32, #tpu.memory_space<vmem>> -> memref<1x128xi32, #tpu.memory_space<vmem>>
      %dma_start3A_118 = tpu.memref_squeeze %dma_start3A_117 : memref<1x128xi32, #tpu.memory_space<vmem>> -> memref<128xi32, #tpu.memory_space<vmem>>
      %dma_start3A_119 = tpu.memref_slice %arg3[%add3A_12] : memref<20480xi32, #tpu.memory_space<hbm>> -> memref<128xi32, #tpu.memory_space<hbm>>
      %dma_start3A_120 = arith.constant 0 : i32
      %dma_start3A_121 = tpu.memref_slice %arg5[%run_scoped3A_13, %dma_start3A_120] : memref<5x128xi32, #tpu.memory_space<vmem>> -> memref<1x128xi32, #tpu.memory_space<vmem>>
      %dma_start3A_122 = tpu.memref_squeeze %dma_start3A_121 : memref<1x128xi32, #tpu.memory_space<vmem>> -> memref<128xi32, #tpu.memory_space<vmem>>
      %dma_start3A_123 = tpu.memref_slice %arg3[%add3A_12] : memref<20480xi32, #tpu.memory_space<hbm>> -> memref<128xi32, #tpu.memory_space<hbm>>
      tpu.enqueue_dma source(%dma_start3A_123 : memref<128xi32, #tpu.memory_space<hbm>>) target(%dma_start3A_122 : memref<128xi32, #tpu.memory_space<vmem>>) target_semaphore(%run_scoped3A_115 : memref<!tpu.dma_semaphore, #tpu.memory_space<semaphore_mem>>)
      %dma_wait3A_124 = arith.constant 0 : i32
      %dma_wait3A_125 = tpu.memref_slice %arg5[%run_scoped3A_13, %dma_wait3A_124] : memref<5x128xi32, #tpu.memory_space<vmem>> -> memref<1x128xi32, #tpu.memory_space<vmem>>
      %dma_wait3A_126 = tpu.memref_squeeze %dma_wait3A_125 : memref<1x128xi32, #tpu.memory_space<vmem>> -> memref<128xi32, #tpu.memory_space<vmem>>
      %dma_wait3A_127 = tpu.memref_slice %arg3[%add3A_12] : memref<20480xi32, #tpu.memory_space<hbm>> -> memref<128xi32, #tpu.memory_space<hbm>>
      %dma_wait3A_128 = arith.constant 0 : i32
      %dma_wait3A_129 = tpu.memref_slice %arg5[%run_scoped3A_13, %dma_wait3A_128] : memref<5x128xi32, #tpu.memory_space<vmem>> -> memref<1x128xi32, #tpu.memory_space<vmem>>
      %dma_wait3A_130 = tpu.memref_squeeze %dma_wait3A_129 : memref<1x128xi32, #tpu.memory_space<vmem>> -> memref<128xi32, #tpu.memory_space<vmem>>
      %dma_wait3A_131 = tpu.memref_slice %arg3[%add3A_12] : memref<20480xi32, #tpu.memory_space<hbm>> -> memref<128xi32, #tpu.memory_space<hbm>>
      tpu.wait_dma2 semaphore(%run_scoped3A_115 : memref<!tpu.dma_semaphore, #tpu.memory_space<semaphore_mem>>) src(%dma_wait3A_131 : memref<128xi32, #tpu.memory_space<hbm>>) dst(%dma_wait3A_130 : memref<128xi32, #tpu.memory_space<vmem>>)
      tpu.yield
    }) : () -> ()
    %add3A_14 = arith.constant 512 : i32
    %add3A_15 = arith.addi %mul3A_2, %add3A_14 : i32
    %run_scoped3A_16 = arith.constant 4 : i32
    "tpu.region"() ({
      %run_scoped3A_115 = tpu.sem_alloc : memref<!tpu.dma_semaphore, #tpu.memory_space<semaphore_mem>>
      %dma_start3A_116 = arith.constant 0 : i32
      %dma_start3A_117 = tpu.memref_slice %arg5[%run_scoped3A_16, %dma_start3A_116] : memref<5x128xi32, #tpu.memory_space<vmem>> -> memref<1x128xi32, #tpu.memory_space<vmem>>
      %dma_start3A_118 = tpu.memref_squeeze %dma_start3A_117 : memref<1x128xi32, #tpu.memory_space<vmem>> -> memref<128xi32, #tpu.memory_space<vmem>>
      %dma_start3A_119 = tpu.memref_slice %arg3[%add3A_15] : memref<20480xi32, #tpu.memory_space<hbm>> -> memref<128xi32, #tpu.memory_space<hbm>>
      %dma_start3A_120 = arith.constant 0 : i32
      %dma_start3A_121 = tpu.memref_slice %arg5[%run_scoped3A_16, %dma_start3A_120] : memref<5x128xi32, #tpu.memory_space<vmem>> -> memref<1x128xi32, #tpu.memory_space<vmem>>
      %dma_start3A_122 = tpu.memref_squeeze %dma_start3A_121 : memref<1x128xi32, #tpu.memory_space<vmem>> -> memref<128xi32, #tpu.memory_space<vmem>>
      %dma_start3A_123 = tpu.memref_slice %arg3[%add3A_15] : memref<20480xi32, #tpu.memory_space<hbm>> -> memref<128xi32, #tpu.memory_space<hbm>>
      tpu.enqueue_dma source(%dma_start3A_123 : memref<128xi32, #tpu.memory_space<hbm>>) target(%dma_start3A_122 : memref<128xi32, #tpu.memory_space<vmem>>) target_semaphore(%run_scoped3A_115 : memref<!tpu.dma_semaphore, #tpu.memory_space<semaphore_mem>>)
      %dma_wait3A_124 = arith.constant 0 : i32
      %dma_wait3A_125 = tpu.memref_slice %arg5[%run_scoped3A_16, %dma_wait3A_124] : memref<5x128xi32, #tpu.memory_space<vmem>> -> memref<1x128xi32, #tpu.memory_space<vmem>>
      %dma_wait3A_126 = tpu.memref_squeeze %dma_wait3A_125 : memref<1x128xi32, #tpu.memory_space<vmem>> -> memref<128xi32, #tpu.memory_space<vmem>>
      %dma_wait3A_127 = tpu.memref_slice %arg3[%add3A_15] : memref<20480xi32, #tpu.memory_space<hbm>> -> memref<128xi32, #tpu.memory_space<hbm>>
      %dma_wait3A_128 = arith.constant 0 : i32
      %dma_wait3A_129 = tpu.memref_slice %arg5[%run_scoped3A_16, %dma_wait3A_128] : memref<5x128xi32, #tpu.memory_space<vmem>> -> memref<1x128xi32, #tpu.memory_space<vmem>>
      %dma_wait3A_130 = tpu.memref_squeeze %dma_wait3A_129 : memref<1x128xi32, #tpu.memory_space<vmem>> -> memref<128xi32, #tpu.memory_space<vmem>>
      %dma_wait3A_131 = tpu.memref_slice %arg3[%add3A_15] : memref<20480xi32, #tpu.memory_space<hbm>> -> memref<128xi32, #tpu.memory_space<hbm>>
      tpu.wait_dma2 semaphore(%run_scoped3A_115 : memref<!tpu.dma_semaphore, #tpu.memory_space<semaphore_mem>>) src(%dma_wait3A_131 : memref<128xi32, #tpu.memory_space<hbm>>) dst(%dma_wait3A_130 : memref<128xi32, #tpu.memory_space<vmem>>)
      tpu.yield
    }) : () -> ()
    %dma_start3A = arith.constant 0 : i32
    %dma_start3A_17 = arith.constant 0 : i32
    %dma_start3A_18 = arith.constant 0 : i32
    %dma_start3A_19 = tpu.memref_slice %arg6[%dma_start3A_17, %dma_start3A_18] : memref<640x128xf32, #tpu.memory_space<vmem>> -> memref<128x128xf32, #tpu.memory_space<vmem>>
    %dma_start3A_20 = arith.constant 0 : i32
    %dma_start3A_21 = tpu.memref_slice %arg5[%dma_start3A, %dma_start3A_20] : memref<5x128xi32, #tpu.memory_space<vmem>> -> memref<1x128xi32, #tpu.memory_space<vmem>>
    %dma_start3A_22 = tpu.memref_squeeze %dma_start3A_21 : memref<1x128xi32, #tpu.memory_space<vmem>> -> memref<128xi32, #tpu.memory_space<vmem>>
    %dma_start3A_23 = arith.constant 0 : i32
    %dma_start3A_24 = arith.constant 0 : i32
    %dma_start3A_25 = tpu.memref_slice %arg2[%dma_start3A_23, %dma_start3A_24] : memref<16385x128xf32, #tpu.memory_space<hbm>> -> memref<16385x128xf32, #tpu.memory_space<hbm>>
    tpu.enqueue_indirect_dma source(%dma_start3A_25 : memref<16385x128xf32, #tpu.memory_space<hbm>>) target(%dma_start3A_19 : memref<128x128xf32, #tpu.memory_space<vmem>>) offsets(%dma_start3A_22 : memref<128xi32, #tpu.memory_space<vmem>>) semaphore(%arg7 : memref<!tpu.dma_semaphore, #tpu.memory_space<semaphore_mem>>)
    %dma_start3A_26 = arith.constant 1 : i32
    %dma_start3A_27 = arith.constant 128 : i32
    %dma_start3A_28 = arith.constant 0 : i32
    %dma_start3A_29 = tpu.memref_slice %arg6[%dma_start3A_27, %dma_start3A_28] : memref<640x128xf32, #tpu.memory_space<vmem>> -> memref<128x128xf32, #tpu.memory_space<vmem>>
    %dma_start3A_30 = arith.constant 0 : i32
    %dma_start3A_31 = tpu.memref_slice %arg5[%dma_start3A_26, %dma_start3A_30] : memref<5x128xi32, #tpu.memory_space<vmem>> -> memref<1x128xi32, #tpu.memory_space<vmem>>
    %dma_start3A_32 = tpu.memref_squeeze %dma_start3A_31 : memref<1x128xi32, #tpu.memory_space<vmem>> -> memref<128xi32, #tpu.memory_space<vmem>>
    %dma_start3A_33 = arith.constant 0 : i32
    %dma_start3A_34 = arith.constant 0 : i32
    %dma_start3A_35 = tpu.memref_slice %arg2[%dma_start3A_33, %dma_start3A_34] : memref<16385x128xf32, #tpu.memory_space<hbm>> -> memref<16385x128xf32, #tpu.memory_space<hbm>>
    tpu.enqueue_indirect_dma source(%dma_start3A_35 : memref<16385x128xf32, #tpu.memory_space<hbm>>) target(%dma_start3A_29 : memref<128x128xf32, #tpu.memory_space<vmem>>) offsets(%dma_start3A_32 : memref<128xi32, #tpu.memory_space<vmem>>) semaphore(%arg7 : memref<!tpu.dma_semaphore, #tpu.memory_space<semaphore_mem>>)
    %dma_start3A_36 = arith.constant 2 : i32
    %dma_start3A_37 = arith.constant 256 : i32
    %dma_start3A_38 = arith.constant 0 : i32
    %dma_start3A_39 = tpu.memref_slice %arg6[%dma_start3A_37, %dma_start3A_38] : memref<640x128xf32, #tpu.memory_space<vmem>> -> memref<128x128xf32, #tpu.memory_space<vmem>>
    %dma_start3A_40 = arith.constant 0 : i32
    %dma_start3A_41 = tpu.memref_slice %arg5[%dma_start3A_36, %dma_start3A_40] : memref<5x128xi32, #tpu.memory_space<vmem>> -> memref<1x128xi32, #tpu.memory_space<vmem>>
    %dma_start3A_42 = tpu.memref_squeeze %dma_start3A_41 : memref<1x128xi32, #tpu.memory_space<vmem>> -> memref<128xi32, #tpu.memory_space<vmem>>
    %dma_start3A_43 = arith.constant 0 : i32
    %dma_start3A_44 = arith.constant 0 : i32
    %dma_start3A_45 = tpu.memref_slice %arg2[%dma_start3A_43, %dma_start3A_44] : memref<16385x128xf32, #tpu.memory_space<hbm>> -> memref<16385x128xf32, #tpu.memory_space<hbm>>
    tpu.enqueue_indirect_dma source(%dma_start3A_45 : memref<16385x128xf32, #tpu.memory_space<hbm>>) target(%dma_start3A_39 : memref<128x128xf32, #tpu.memory_space<vmem>>) offsets(%dma_start3A_42 : memref<128xi32, #tpu.memory_space<vmem>>) semaphore(%arg7 : memref<!tpu.dma_semaphore, #tpu.memory_space<semaphore_mem>>)
    %dma_start3A_46 = arith.constant 3 : i32
    %dma_start3A_47 = arith.constant 384 : i32
    %dma_start3A_48 = arith.constant 0 : i32
    %dma_start3A_49 = tpu.memref_slice %arg6[%dma_start3A_47, %dma_start3A_48] : memref<640x128xf32, #tpu.memory_space<vmem>> -> memref<128x128xf32, #tpu.memory_space<vmem>>
    %dma_start3A_50 = arith.constant 0 : i32
    %dma_start3A_51 = tpu.memref_slice %arg5[%dma_start3A_46, %dma_start3A_50] : memref<5x128xi32, #tpu.memory_space<vmem>> -> memref<1x128xi32, #tpu.memory_space<vmem>>
    %dma_start3A_52 = tpu.memref_squeeze %dma_start3A_51 : memref<1x128xi32, #tpu.memory_space<vmem>> -> memref<128xi32, #tpu.memory_space<vmem>>
    %dma_start3A_53 = arith.constant 0 : i32
    %dma_start3A_54 = arith.constant 0 : i32
    %dma_start3A_55 = tpu.memref_slice %arg2[%dma_start3A_53, %dma_start3A_54] : memref<16385x128xf32, #tpu.memory_space<hbm>> -> memref<16385x128xf32, #tpu.memory_space<hbm>>
    tpu.enqueue_indirect_dma source(%dma_start3A_55 : memref<16385x128xf32, #tpu.memory_space<hbm>>) target(%dma_start3A_49 : memref<128x128xf32, #tpu.memory_space<vmem>>) offsets(%dma_start3A_52 : memref<128xi32, #tpu.memory_space<vmem>>) semaphore(%arg7 : memref<!tpu.dma_semaphore, #tpu.memory_space<semaphore_mem>>)
    %dma_start3A_56 = arith.constant 4 : i32
    %dma_start3A_57 = arith.constant 512 : i32
    %dma_start3A_58 = arith.constant 0 : i32
    %dma_start3A_59 = tpu.memref_slice %arg6[%dma_start3A_57, %dma_start3A_58] : memref<640x128xf32, #tpu.memory_space<vmem>> -> memref<128x128xf32, #tpu.memory_space<vmem>>
    %dma_start3A_60 = arith.constant 0 : i32
    %dma_start3A_61 = tpu.memref_slice %arg5[%dma_start3A_56, %dma_start3A_60] : memref<5x128xi32, #tpu.memory_space<vmem>> -> memref<1x128xi32, #tpu.memory_space<vmem>>
    %dma_start3A_62 = tpu.memref_squeeze %dma_start3A_61 : memref<1x128xi32, #tpu.memory_space<vmem>> -> memref<128xi32, #tpu.memory_space<vmem>>
    %dma_start3A_63 = arith.constant 0 : i32
    %dma_start3A_64 = arith.constant 0 : i32
    %dma_start3A_65 = tpu.memref_slice %arg2[%dma_start3A_63, %dma_start3A_64] : memref<16385x128xf32, #tpu.memory_space<hbm>> -> memref<16385x128xf32, #tpu.memory_space<hbm>>
    tpu.enqueue_indirect_dma source(%dma_start3A_65 : memref<16385x128xf32, #tpu.memory_space<hbm>>) target(%dma_start3A_59 : memref<128x128xf32, #tpu.memory_space<vmem>>) offsets(%dma_start3A_62 : memref<128xi32, #tpu.memory_space<vmem>>) semaphore(%arg7 : memref<!tpu.dma_semaphore, #tpu.memory_space<semaphore_mem>>)
    %dma_wait3A = arith.constant 0 : i32
    %dma_wait3A_66 = arith.constant 0 : i32
    %dma_wait3A_67 = arith.constant 0 : i32
    %dma_wait3A_68 = tpu.memref_slice %arg6[%dma_wait3A_66, %dma_wait3A_67] : memref<640x128xf32, #tpu.memory_space<vmem>> -> memref<128x128xf32, #tpu.memory_space<vmem>>
    %dma_wait3A_69 = arith.constant 0 : i32
    %dma_wait3A_70 = tpu.memref_slice %arg5[%dma_wait3A, %dma_wait3A_69] : memref<5x128xi32, #tpu.memory_space<vmem>> -> memref<1x128xi32, #tpu.memory_space<vmem>>
    %dma_wait3A_71 = tpu.memref_squeeze %dma_wait3A_70 : memref<1x128xi32, #tpu.memory_space<vmem>> -> memref<128xi32, #tpu.memory_space<vmem>>
    %dma_wait3A_72 = arith.constant 0 : i32
    %dma_wait3A_73 = arith.constant 0 : i32
    %dma_wait3A_74 = tpu.memref_slice %arg2[%dma_wait3A_72, %dma_wait3A_73] : memref<16385x128xf32, #tpu.memory_space<hbm>> -> memref<16385x128xf32, #tpu.memory_space<hbm>>
    tpu.wait_indirect_dma semaphore(%arg7 : memref<!tpu.dma_semaphore, #tpu.memory_space<semaphore_mem>>) src(%dma_wait3A_74 : memref<16385x128xf32, #tpu.memory_space<hbm>>) dst(%dma_wait3A_68 : memref<128x128xf32, #tpu.memory_space<vmem>>)
    %dma_wait3A_75 = arith.constant 1 : i32
    %dma_wait3A_76 = arith.constant 128 : i32
    %dma_wait3A_77 = arith.constant 0 : i32
    %dma_wait3A_78 = tpu.memref_slice %arg6[%dma_wait3A_76, %dma_wait3A_77] : memref<640x128xf32, #tpu.memory_space<vmem>> -> memref<128x128xf32, #tpu.memory_space<vmem>>
    %dma_wait3A_79 = arith.constant 0 : i32
    %dma_wait3A_80 = tpu.memref_slice %arg5[%dma_wait3A_75, %dma_wait3A_79] : memref<5x128xi32, #tpu.memory_space<vmem>> -> memref<1x128xi32, #tpu.memory_space<vmem>>
    %dma_wait3A_81 = tpu.memref_squeeze %dma_wait3A_80 : memref<1x128xi32, #tpu.memory_space<vmem>> -> memref<128xi32, #tpu.memory_space<vmem>>
    %dma_wait3A_82 = arith.constant 0 : i32
    %dma_wait3A_83 = arith.constant 0 : i32
    %dma_wait3A_84 = tpu.memref_slice %arg2[%dma_wait3A_82, %dma_wait3A_83] : memref<16385x128xf32, #tpu.memory_space<hbm>> -> memref<16385x128xf32, #tpu.memory_space<hbm>>
    tpu.wait_indirect_dma semaphore(%arg7 : memref<!tpu.dma_semaphore, #tpu.memory_space<semaphore_mem>>) src(%dma_wait3A_84 : memref<16385x128xf32, #tpu.memory_space<hbm>>) dst(%dma_wait3A_78 : memref<128x128xf32, #tpu.memory_space<vmem>>)
    %dma_wait3A_85 = arith.constant 2 : i32
    %dma_wait3A_86 = arith.constant 256 : i32
    %dma_wait3A_87 = arith.constant 0 : i32
    %dma_wait3A_88 = tpu.memref_slice %arg6[%dma_wait3A_86, %dma_wait3A_87] : memref<640x128xf32, #tpu.memory_space<vmem>> -> memref<128x128xf32, #tpu.memory_space<vmem>>
    %dma_wait3A_89 = arith.constant 0 : i32
    %dma_wait3A_90 = tpu.memref_slice %arg5[%dma_wait3A_85, %dma_wait3A_89] : memref<5x128xi32, #tpu.memory_space<vmem>> -> memref<1x128xi32, #tpu.memory_space<vmem>>
    %dma_wait3A_91 = tpu.memref_squeeze %dma_wait3A_90 : memref<1x128xi32, #tpu.memory_space<vmem>> -> memref<128xi32, #tpu.memory_space<vmem>>
    %dma_wait3A_92 = arith.constant 0 : i32
    %dma_wait3A_93 = arith.constant 0 : i32
    %dma_wait3A_94 = tpu.memref_slice %arg2[%dma_wait3A_92, %dma_wait3A_93] : memref<16385x128xf32, #tpu.memory_space<hbm>> -> memref<16385x128xf32, #tpu.memory_space<hbm>>
    tpu.wait_indirect_dma semaphore(%arg7 : memref<!tpu.dma_semaphore, #tpu.memory_space<semaphore_mem>>) src(%dma_wait3A_94 : memref<16385x128xf32, #tpu.memory_space<hbm>>) dst(%dma_wait3A_88 : memref<128x128xf32, #tpu.memory_space<vmem>>)
    %dma_wait3A_95 = arith.constant 3 : i32
    %dma_wait3A_96 = arith.constant 384 : i32
    %dma_wait3A_97 = arith.constant 0 : i32
    %dma_wait3A_98 = tpu.memref_slice %arg6[%dma_wait3A_96, %dma_wait3A_97] : memref<640x128xf32, #tpu.memory_space<vmem>> -> memref<128x128xf32, #tpu.memory_space<vmem>>
    %dma_wait3A_99 = arith.constant 0 : i32
    %dma_wait3A_100 = tpu.memref_slice %arg5[%dma_wait3A_95, %dma_wait3A_99] : memref<5x128xi32, #tpu.memory_space<vmem>> -> memref<1x128xi32, #tpu.memory_space<vmem>>
    %dma_wait3A_101 = tpu.memref_squeeze %dma_wait3A_100 : memref<1x128xi32, #tpu.memory_space<vmem>> -> memref<128xi32, #tpu.memory_space<vmem>>
    %dma_wait3A_102 = arith.constant 0 : i32
    %dma_wait3A_103 = arith.constant 0 : i32
    %dma_wait3A_104 = tpu.memref_slice %arg2[%dma_wait3A_102, %dma_wait3A_103] : memref<16385x128xf32, #tpu.memory_space<hbm>> -> memref<16385x128xf32, #tpu.memory_space<hbm>>
    tpu.wait_indirect_dma semaphore(%arg7 : memref<!tpu.dma_semaphore, #tpu.memory_space<semaphore_mem>>) src(%dma_wait3A_104 : memref<16385x128xf32, #tpu.memory_space<hbm>>) dst(%dma_wait3A_98 : memref<128x128xf32, #tpu.memory_space<vmem>>)
    %dma_wait3A_105 = arith.constant 4 : i32
    %dma_wait3A_106 = arith.constant 512 : i32
    %dma_wait3A_107 = arith.constant 0 : i32
    %dma_wait3A_108 = tpu.memref_slice %arg6[%dma_wait3A_106, %dma_wait3A_107] : memref<640x128xf32, #tpu.memory_space<vmem>> -> memref<128x128xf32, #tpu.memory_space<vmem>>
    %dma_wait3A_109 = arith.constant 0 : i32
    %dma_wait3A_110 = tpu.memref_slice %arg5[%dma_wait3A_105, %dma_wait3A_109] : memref<5x128xi32, #tpu.memory_space<vmem>> -> memref<1x128xi32, #tpu.memory_space<vmem>>
    %dma_wait3A_111 = tpu.memref_squeeze %dma_wait3A_110 : memref<1x128xi32, #tpu.memory_space<vmem>> -> memref<128xi32, #tpu.memory_space<vmem>>
    %dma_wait3A_112 = arith.constant 0 : i32
    %dma_wait3A_113 = arith.constant 0 : i32
    %dma_wait3A_114 = tpu.memref_slice %arg2[%dma_wait3A_112, %dma_wait3A_113] : memref<16385x128xf32, #tpu.memory_space<hbm>> -> memref<16385x128xf32, #tpu.memory_space<hbm>>
    tpu.wait_indirect_dma semaphore(%arg7 : memref<!tpu.dma_semaphore, #tpu.memory_space<semaphore_mem>>) src(%dma_wait3A_114 : memref<16385x128xf32, #tpu.memory_space<hbm>>) dst(%dma_wait3A_108 : memref<128x128xf32, #tpu.memory_space<vmem>>)
    "tpu.region"() ({
      %run_scoped3A_115 = tpu.sem_alloc : memref<!tpu.dma_semaphore, #tpu.memory_space<semaphore_mem>>
      %dma_start3A_116 = arith.constant 0 : i32
      %dma_start3A_117 = tpu.memref_slice %arg4[%mul3A_2, %dma_start3A_116] : memref<20480x128xf32, #tpu.memory_space<hbm>> -> memref<640x128xf32, #tpu.memory_space<hbm>>
      %dma_start3A_118 = arith.constant 0 : i32
      %dma_start3A_119 = tpu.memref_slice %arg4[%mul3A_2, %dma_start3A_118] : memref<20480x128xf32, #tpu.memory_space<hbm>> -> memref<640x128xf32, #tpu.memory_space<hbm>>
      tpu.enqueue_dma source(%arg6 : memref<640x128xf32, #tpu.memory_space<vmem>>) target(%dma_start3A_119 : memref<640x128xf32, #tpu.memory_space<hbm>>) target_semaphore(%run_scoped3A_115 : memref<!tpu.dma_semaphore, #tpu.memory_space<semaphore_mem>>)
      %dma_wait3A_120 = arith.constant 0 : i32
      %dma_wait3A_121 = tpu.memref_slice %arg4[%mul3A_2, %dma_wait3A_120] : memref<20480x128xf32, #tpu.memory_space<hbm>> -> memref<640x128xf32, #tpu.memory_space<hbm>>
      %dma_wait3A_122 = arith.constant 0 : i32
      %dma_wait3A_123 = tpu.memref_slice %arg4[%mul3A_2, %dma_wait3A_122] : memref<20480x128xf32, #tpu.memory_space<hbm>> -> memref<640x128xf32, #tpu.memory_space<hbm>>
      tpu.wait_dma2 semaphore(%run_scoped3A_115 : memref<!tpu.dma_semaphore, #tpu.memory_space<semaphore_mem>>) src(%arg6 : memref<640x128xf32, #tpu.memory_space<vmem>>) dst(%dma_wait3A_123 : memref<640x128xf32, #tpu.memory_space<hbm>>)
      tpu.yield
    }) : () -> ()
    return
  }
}

module attributes {stable_mosaic.version = 14 : i64} {
  func.func @_mlp_body(%arg0: i32, %arg1: memref<40xi32, #tpu.memory_space<smem>>, %arg2: memref<40xi32, #tpu.memory_space<smem>>, %arg3: memref<512x128xf32, #tpu.memory_space<vmem>>, %arg4: memref<6x2xf32, #tpu.memory_space<smem>>, %arg5: memref<1x128x128xf32, #tpu.memory_space<vmem>>, %arg6: memref<1x1x128xf32, #tpu.memory_space<vmem>>, %arg7: memref<1x64x128xf32, #tpu.memory_space<vmem>>, %arg8: memref<1x1x64xf32, #tpu.memory_space<vmem>>, %arg9: memref<1x256x64xf32, #tpu.memory_space<vmem>>, %arg10: memref<1x1x256xf32, #tpu.memory_space<vmem>>, %arg11: memref<1x1x256xf32, #tpu.memory_space<vmem>>, %arg12: memref<1x1x256xf32, #tpu.memory_space<vmem>>, %arg13: memref<512x256xf32, #tpu.memory_space<vmem>>) attributes {dimension_semantics = [#tpu.dimension_semantics<arbitrary>], iteration_bounds = array<i64: 40>, scalar_prefetch = 2 : i64, scratch_operands = 0 : i64, tpu.core_type = #tpu.core_type<tc>, window_params = [{transform_indices = @transform_0, window_bounds = array<i64: 512, 128>}, {transform_indices = @transform_1, window_bounds = array<i64: 6, 2>}, {transform_indices = @transform_2, window_bounds = array<i64: 1, 128, 128>}, {transform_indices = @transform_3, window_bounds = array<i64: 1, 1, 128>}, {transform_indices = @transform_4, window_bounds = array<i64: 1, 64, 128>}, {transform_indices = @transform_5, window_bounds = array<i64: 1, 1, 64>}, {transform_indices = @transform_6, window_bounds = array<i64: 1, 256, 64>}, {transform_indices = @transform_7, window_bounds = array<i64: 1, 1, 256>}, {transform_indices = @transform_8, window_bounds = array<i64: 1, 1, 256>}, {transform_indices = @transform_9, window_bounds = array<i64: 1, 1, 256>}, {transform_indices = @transform_10, window_bounds = array<i64: 512, 256>}]} {
    %get3A = arith.index_cast %arg0 : i32 to index
    %get3A_0 = memref.load %arg1[%get3A] : memref<40xi32, #tpu.memory_space<smem>>
    %get3A_1 = arith.index_cast %arg0 : i32 to index
    %get3A_2 = memref.load %arg2[%get3A_1] : memref<40xi32, #tpu.memory_space<smem>>
    %get3A_3 = arith.constant 0 : index
    %get3A_4 = arith.constant 0 : index
    %get3A_5 = vector.load %arg3[%get3A_3, %get3A_4] : memref<512x128xf32, #tpu.memory_space<vmem>>, vector<512x128xf32>
    %get3A_6 = arith.constant 0 : index
    %get3A_7 = arith.constant 0 : index
    %get3A_8 = arith.constant 0 : index
    %get3A_9 = vector.load %arg5[%get3A_6, %get3A_7, %get3A_8] : memref<1x128x128xf32, #tpu.memory_space<vmem>>, vector<1x128x128xf32>
    %get3A_10 = vector.shape_cast %get3A_9 : vector<1x128x128xf32> to vector<128x128xf32>
    %dot_general3A = arith.constant dense<0.000000e+00> : vector<512x128xf32>
    %dot_general3A_11 = tpu.matmul %get3A_5, %get3A_10, %dot_general3A {dimension_numbers = #tpu.dot_dimension_numbers<[1], [1], [0], [0], [0, 0, 1, 0], [], []>, transpose_lhs_hint = false} : vector<512x128xf32>, vector<128x128xf32>, vector<512x128xf32> -> vector<512x128xf32>
    %get3A_12 = arith.constant 0 : index
    %get3A_13 = arith.constant 0 : index
    %get3A_14 = arith.constant 0 : index
    %get3A_15 = vector.load %arg6[%get3A_12, %get3A_13, %get3A_14] : memref<1x1x128xf32, #tpu.memory_space<vmem>>, vector<1x1x128xf32>
    %get3A_16 = vector.shape_cast %get3A_15 : vector<1x1x128xf32> to vector<1x128xf32>
    %add3A = vector.broadcast %get3A_16 : vector<1x128xf32> to vector<512x128xf32>
    %add3A_17 = arith.addf %dot_general3A_11, %add3A : vector<512x128xf32>
    %ge3A = arith.constant 0.000000e+00 : f32
    %ge3A_18 = vector.broadcast %ge3A : f32 to vector<512x128xf32>
    %ge3A_19 = arith.cmpf oge, %add3A_17, %ge3A_18 : vector<512x128xf32>
    %get3A_20 = arith.index_cast %get3A_0 : i32 to index
    %get3A_21 = arith.constant 0 : index
    %get3A_22 = memref.load %arg4[%get3A_20, %get3A_21] : memref<6x2xf32, #tpu.memory_space<smem>>
    %mul3A = vector.broadcast %get3A_22 : f32 to vector<512x128xf32>
    %mul3A_23 = arith.mulf %mul3A, %add3A_17 : vector<512x128xf32>
    %select_n3A = arith.select %ge3A_19, %add3A_17, %mul3A_23 : vector<512x128xi1>, vector<512x128xf32>
    %get3A_24 = arith.constant 0 : index
    %get3A_25 = arith.constant 0 : index
    %get3A_26 = arith.constant 0 : index
    %get3A_27 = vector.load %arg7[%get3A_24, %get3A_25, %get3A_26] : memref<1x64x128xf32, #tpu.memory_space<vmem>>, vector<1x64x128xf32>
    %get3A_28 = vector.shape_cast %get3A_27 : vector<1x64x128xf32> to vector<64x128xf32>
    %dot_general3A_29 = arith.constant dense<0.000000e+00> : vector<512x64xf32>
    %dot_general3A_30 = tpu.matmul %select_n3A, %get3A_28, %dot_general3A_29 {dimension_numbers = #tpu.dot_dimension_numbers<[1], [1], [0], [0], [0, 0, 1, 0], [], []>, transpose_lhs_hint = false} : vector<512x128xf32>, vector<64x128xf32>, vector<512x64xf32> -> vector<512x64xf32>
    %get3A_31 = arith.constant 0 : index
    %get3A_32 = arith.constant 0 : index
    %get3A_33 = arith.constant 0 : index
    %get3A_34 = vector.load %arg8[%get3A_31, %get3A_32, %get3A_33] : memref<1x1x64xf32, #tpu.memory_space<vmem>>, vector<1x1x64xf32>
    %get3A_35 = vector.shape_cast %get3A_34 : vector<1x1x64xf32> to vector<1x64xf32>
    %add3A_36 = vector.broadcast %get3A_35 : vector<1x64xf32> to vector<512x64xf32>
    %add3A_37 = arith.addf %dot_general3A_30, %add3A_36 : vector<512x64xf32>
    %ge3A_38 = arith.constant 0.000000e+00 : f32
    %ge3A_39 = vector.broadcast %ge3A_38 : f32 to vector<512x64xf32>
    %ge3A_40 = arith.cmpf oge, %add3A_37, %ge3A_39 : vector<512x64xf32>
    %get3A_41 = arith.index_cast %get3A_0 : i32 to index
    %get3A_42 = arith.constant 1 : index
    %get3A_43 = memref.load %arg4[%get3A_41, %get3A_42] : memref<6x2xf32, #tpu.memory_space<smem>>
    %mul3A_44 = vector.broadcast %get3A_43 : f32 to vector<512x64xf32>
    %mul3A_45 = arith.mulf %mul3A_44, %add3A_37 : vector<512x64xf32>
    %select_n3A_46 = arith.select %ge3A_40, %add3A_37, %mul3A_45 : vector<512x64xi1>, vector<512x64xf32>
    %get3A_47 = arith.constant 0 : index
    %get3A_48 = arith.constant 0 : index
    %get3A_49 = arith.constant 0 : index
    %get3A_50 = vector.load %arg9[%get3A_47, %get3A_48, %get3A_49] : memref<1x256x64xf32, #tpu.memory_space<vmem>>, vector<1x256x64xf32>
    %get3A_51 = vector.shape_cast %get3A_50 : vector<1x256x64xf32> to vector<256x64xf32>
    %dot_general3A_52 = arith.constant dense<0.000000e+00> : vector<512x256xf32>
    %dot_general3A_53 = tpu.matmul %select_n3A_46, %get3A_51, %dot_general3A_52 {dimension_numbers = #tpu.dot_dimension_numbers<[1], [1], [0], [0], [0, 0, 1, 0], [], []>, transpose_lhs_hint = false} : vector<512x64xf32>, vector<256x64xf32>, vector<512x256xf32> -> vector<512x256xf32>
    %get3A_54 = arith.constant 0 : index
    %get3A_55 = arith.constant 0 : index
    %get3A_56 = arith.constant 0 : index
    %get3A_57 = vector.load %arg10[%get3A_54, %get3A_55, %get3A_56] : memref<1x1x256xf32, #tpu.memory_space<vmem>>, vector<1x1x256xf32>
    %get3A_58 = vector.shape_cast %get3A_57 : vector<1x1x256xf32> to vector<1x256xf32>
    %add3A_59 = vector.broadcast %get3A_58 : vector<1x256xf32> to vector<512x256xf32>
    %add3A_60 = arith.addf %dot_general3A_53, %add3A_59 : vector<512x256xf32>
    %convert_element_type3A = arith.sitofp %get3A_2 : i32 to f32
    %div3A = arith.constant 1.000000e+00 : f32
    %div3A_61 = arith.divf %div3A, %convert_element_type3A : f32
    %reduce_sum3A = arith.constant dense<0.000000e+00> : vector<512xf32>
    %reduce_sum3A_62 = vector.multi_reduction <add>, %add3A_60, %reduce_sum3A [1] : vector<512x256xf32> to vector<512xf32>
    %broadcast_in_dim3A = vector.shape_cast %reduce_sum3A_62 : vector<512xf32> to vector<512x1xf32>
    %mul3A_63 = vector.broadcast %div3A_61 : f32 to vector<512x1xf32>
    %mul3A_64 = arith.mulf %broadcast_in_dim3A, %mul3A_63 : vector<512x1xf32>
    %iota3A = tpu.iota {dimensions = array<i32: 1>} : vector<512x256xi32>
    %lt3A = vector.broadcast %get3A_2 : i32 to vector<512x256xi32>
    %lt3A_65 = arith.cmpi slt, %iota3A, %lt3A : vector<512x256xi32>
    %sub3A = vector.broadcast %mul3A_64 : vector<512x1xf32> to vector<512x256xf32>
    %sub3A_66 = arith.subf %add3A_60, %sub3A : vector<512x256xf32>
    %jit3A = arith.constant 0.000000e+00 : f32
    %broadcast_in_dim3A_67 = vector.broadcast %jit3A : f32 to vector<512x256xf32>
    %select_n3A_68 = arith.select %lt3A_65, %sub3A_66, %broadcast_in_dim3A_67 : vector<512x256xi1>, vector<512x256xf32>
    %mul3A_69 = arith.mulf %select_n3A_68, %select_n3A_68 : vector<512x256xf32>
    %reduce_sum3A_70 = arith.constant dense<0.000000e+00> : vector<512xf32>
    %reduce_sum3A_71 = vector.multi_reduction <add>, %mul3A_69, %reduce_sum3A_70 [1] : vector<512x256xf32> to vector<512xf32>
    %broadcast_in_dim3A_72 = vector.shape_cast %reduce_sum3A_71 : vector<512xf32> to vector<512x1xf32>
    %mul3A_73 = vector.broadcast %div3A_61 : f32 to vector<512x1xf32>
    %mul3A_74 = arith.mulf %broadcast_in_dim3A_72, %mul3A_73 : vector<512x1xf32>
    %add3A_75 = arith.constant 9.99999974E-6 : f32
    %add3A_76 = vector.broadcast %add3A_75 : f32 to vector<512x1xf32>
    %add3A_77 = arith.addf %mul3A_74, %add3A_76 : vector<512x1xf32>
    %rsqrt3A = math.rsqrt %add3A_77 : vector<512x1xf32>
    %mul3A_78 = vector.broadcast %rsqrt3A : vector<512x1xf32> to vector<512x256xf32>
    %mul3A_79 = arith.mulf %select_n3A_68, %mul3A_78 : vector<512x256xf32>
    %get3A_80 = arith.constant 0 : index
    %get3A_81 = arith.constant 0 : index
    %get3A_82 = arith.constant 0 : index
    %get3A_83 = vector.load %arg11[%get3A_80, %get3A_81, %get3A_82] : memref<1x1x256xf32, #tpu.memory_space<vmem>>, vector<1x1x256xf32>
    %get3A_84 = vector.shape_cast %get3A_83 : vector<1x1x256xf32> to vector<1x256xf32>
    %mul3A_85 = vector.broadcast %get3A_84 : vector<1x256xf32> to vector<512x256xf32>
    %mul3A_86 = arith.mulf %mul3A_79, %mul3A_85 : vector<512x256xf32>
    %get3A_87 = arith.constant 0 : index
    %get3A_88 = arith.constant 0 : index
    %get3A_89 = arith.constant 0 : index
    %get3A_90 = vector.load %arg12[%get3A_87, %get3A_88, %get3A_89] : memref<1x1x256xf32, #tpu.memory_space<vmem>>, vector<1x1x256xf32>
    %get3A_91 = vector.shape_cast %get3A_90 : vector<1x1x256xf32> to vector<1x256xf32>
    %add3A_92 = vector.broadcast %get3A_91 : vector<1x256xf32> to vector<512x256xf32>
    %add3A_93 = arith.addf %mul3A_86, %add3A_92 : vector<512x256xf32>
    %swap3A = arith.constant 0 : index
    %swap3A_94 = arith.constant 0 : index
    %swap3A_95 = vector.load %arg13[%swap3A, %swap3A_94] : memref<512x256xf32, #tpu.memory_space<vmem>>, vector<512x256xf32>
    tpu.vector_store %arg13[%swap3A, %swap3A_94], %add3A_93 {strides = array<i32>} : memref<512x256xf32, #tpu.memory_space<vmem>>, vector<512x256xf32>,
    return
  }
  func.func @transform_0(%arg0: i32, %arg1: memref<40xi32, #tpu.memory_space<smem>>, %arg2: memref<40xi32, #tpu.memory_space<smem>>) -> (i32, i32) {
    %c0_i32 = arith.constant 0 : i32
    %c0_i32_0 = arith.constant 0 : i32
    return %arg0, %c0_i32 : i32, i32
  }
  func.func @transform_1(%arg0: i32, %arg1: memref<40xi32, #tpu.memory_space<smem>>, %arg2: memref<40xi32, #tpu.memory_space<smem>>) -> (i32, i32) {
    %c0_i32 = arith.constant 0 : i32
    %c0_i32_0 = arith.constant 0 : i32
    %c0_i32_1 = arith.constant 0 : i32
    return %c0_i32, %c0_i32_0 : i32, i32
  }
  func.func @transform_2(%arg0: i32, %arg1: memref<40xi32, #tpu.memory_space<smem>>, %arg2: memref<40xi32, #tpu.memory_space<smem>>) -> (i32, i32, i32) {
    %get3A = arith.index_cast %arg0 : i32 to index
    %get3A_0 = memref.load %arg1[%get3A] : memref<40xi32, #tpu.memory_space<smem>>
    %c0_i32 = arith.constant 0 : i32
    %c0_i32_1 = arith.constant 0 : i32
    %c0_i32_2 = arith.constant 0 : i32
    return %get3A_0, %c0_i32, %c0_i32_1 : i32, i32, i32
  }
  func.func @transform_3(%arg0: i32, %arg1: memref<40xi32, #tpu.memory_space<smem>>, %arg2: memref<40xi32, #tpu.memory_space<smem>>) -> (i32, i32, i32) {
    %get3A = arith.index_cast %arg0 : i32 to index
    %get3A_0 = memref.load %arg1[%get3A] : memref<40xi32, #tpu.memory_space<smem>>
    %c0_i32 = arith.constant 0 : i32
    %c0_i32_1 = arith.constant 0 : i32
    %c0_i32_2 = arith.constant 0 : i32
    return %get3A_0, %c0_i32, %c0_i32_1 : i32, i32, i32
  }
  func.func @transform_4(%arg0: i32, %arg1: memref<40xi32, #tpu.memory_space<smem>>, %arg2: memref<40xi32, #tpu.memory_space<smem>>) -> (i32, i32, i32) {
    %get3A = arith.index_cast %arg0 : i32 to index
    %get3A_0 = memref.load %arg1[%get3A] : memref<40xi32, #tpu.memory_space<smem>>
    %c0_i32 = arith.constant 0 : i32
    %c0_i32_1 = arith.constant 0 : i32
    %c0_i32_2 = arith.constant 0 : i32
    return %get3A_0, %c0_i32, %c0_i32_1 : i32, i32, i32
  }
  func.func @transform_5(%arg0: i32, %arg1: memref<40xi32, #tpu.memory_space<smem>>, %arg2: memref<40xi32, #tpu.memory_space<smem>>) -> (i32, i32, i32) {
    %get3A = arith.index_cast %arg0 : i32 to index
    %get3A_0 = memref.load %arg1[%get3A] : memref<40xi32, #tpu.memory_space<smem>>
    %c0_i32 = arith.constant 0 : i32
    %c0_i32_1 = arith.constant 0 : i32
    %c0_i32_2 = arith.constant 0 : i32
    return %get3A_0, %c0_i32, %c0_i32_1 : i32, i32, i32
  }
  func.func @transform_6(%arg0: i32, %arg1: memref<40xi32, #tpu.memory_space<smem>>, %arg2: memref<40xi32, #tpu.memory_space<smem>>) -> (i32, i32, i32) {
    %get3A = arith.index_cast %arg0 : i32 to index
    %get3A_0 = memref.load %arg1[%get3A] : memref<40xi32, #tpu.memory_space<smem>>
    %c0_i32 = arith.constant 0 : i32
    %c0_i32_1 = arith.constant 0 : i32
    %c0_i32_2 = arith.constant 0 : i32
    return %get3A_0, %c0_i32, %c0_i32_1 : i32, i32, i32
  }
  func.func @transform_7(%arg0: i32, %arg1: memref<40xi32, #tpu.memory_space<smem>>, %arg2: memref<40xi32, #tpu.memory_space<smem>>) -> (i32, i32, i32) {
    %get3A = arith.index_cast %arg0 : i32 to index
    %get3A_0 = memref.load %arg1[%get3A] : memref<40xi32, #tpu.memory_space<smem>>
    %c0_i32 = arith.constant 0 : i32
    %c0_i32_1 = arith.constant 0 : i32
    %c0_i32_2 = arith.constant 0 : i32
    return %get3A_0, %c0_i32, %c0_i32_1 : i32, i32, i32
  }
  func.func @transform_8(%arg0: i32, %arg1: memref<40xi32, #tpu.memory_space<smem>>, %arg2: memref<40xi32, #tpu.memory_space<smem>>) -> (i32, i32, i32) {
    %get3A = arith.index_cast %arg0 : i32 to index
    %get3A_0 = memref.load %arg1[%get3A] : memref<40xi32, #tpu.memory_space<smem>>
    %c0_i32 = arith.constant 0 : i32
    %c0_i32_1 = arith.constant 0 : i32
    %c0_i32_2 = arith.constant 0 : i32
    return %get3A_0, %c0_i32, %c0_i32_1 : i32, i32, i32
  }
  func.func @transform_9(%arg0: i32, %arg1: memref<40xi32, #tpu.memory_space<smem>>, %arg2: memref<40xi32, #tpu.memory_space<smem>>) -> (i32, i32, i32) {
    %get3A = arith.index_cast %arg0 : i32 to index
    %get3A_0 = memref.load %arg1[%get3A] : memref<40xi32, #tpu.memory_space<smem>>
    %c0_i32 = arith.constant 0 : i32
    %c0_i32_1 = arith.constant 0 : i32
    %c0_i32_2 = arith.constant 0 : i32
    return %get3A_0, %c0_i32, %c0_i32_1 : i32, i32, i32
  }
  func.func @transform_10(%arg0: i32, %arg1: memref<40xi32, #tpu.memory_space<smem>>, %arg2: memref<40xi32, #tpu.memory_space<smem>>) -> (i32, i32) {
    %c0_i32 = arith.constant 0 : i32
    %c0_i32_0 = arith.constant 0 : i32
    return %arg0, %c0_i32 : i32, i32
  }
}

</mosaic_0001>

<sc_bundles>
// kernel: gather_offload_async_start
scs
__scs_entry_jumppad:
0x0: {  	(pc) =	sbr.rel $0x88, $3  }
0x1: {  	(tag) =	ssettag $0x0;
	lr =	simm.s32 $0x1  }
0x2: {  	[smem:$0x3F61] =	sst lr;
	_ =	strace $0xD0000000  }
0x3: {  	_ = 	snop  }
0x4: {  	_ = 	snop  }
0x5: {  	_ = 	snop  }
0x6: {  	_ = 	snop  }
0x7: {  	_ = 	snop  }
__scs_overlays_trampoline_lowered:
0x8: {  	[smem:$0x3F70] =	sst s0  }
0x9: {  	[smem:$0x3F71] =	sst s1  }
0xa: {  	[smem:$0x3F72] =	sst s2  }
0xb: {  	[smem:$0x3F73] =	sst s3  }
0xc: {  	[smem:$0x3F74] =	sst s4  }
0xd: {  	[smem:$0x3F75] =	sst s5  }
0xe: {  	[smem:$0x3F76] =	sst s6  }
0xf: {  	[smem:$0x3F77] =	sst s7  }
0x10: {  	[smem:$0x3F78] =	sst s8  }
0x11: {  	[smem:$0x3F79] =	sst s9;
	s0 =	simm.s32 @!p0 $0x0  }
0x12: {  	s1 =	sld [smem:$0x3F5F];
	s0 =	simm.s32 @p0 $0x1  }
0x13: {  	[smem:$0x3F7A] =	sst s0;
	s0 =	simm.s32 @!p1 $0x0  }
0x14: {  	s2 =	sld [smem:$0x3F5E];
	s0 =	simm.s32 @p1 $0x1  }
0x15: {  	[smem:$0x3F7B] =	sst s0;
	s0 =	simm.s32 @!p2 $0x0  }
0x16: {  	s3 =	sld [smem:$0x3FDB];
	s0 =	simm.s32 @p2 $0x1  }
0x17: {  	s4 =	simm.s32 $0x1BF5;
	[smem:$0x3F7D] =	sst s0  }
0x18: {  	s0 =	sld [smem:$0x3F60];
	_ =	swait.ge [sflag:s4], $0x0  }
0x19: {  	s7 =	sld [smem:$0x3F61]  }
0x1a: {  	s8 =	sadd.s32 $0xFFFFE003, lr  }
0x1b: {  	s9 =	sadd.s32 $0xFFFFFEF7, lr;
	s5 =	simm.s32 $0xFFFFFFFF;
	p2 =	slt.u32 s8, $0xFFFFF086  }
0x1c: {  	p1 =	slt.u32 s9, $0xF7A;
	s5 =	simm.s32 @!p2 $0x0  }
0x1d: {  	s5 =	simm.s32 @p1 $0x1;
	p0 =	seq.s32 s7, s2  }
0x1e: {  	s7 =	smul.u32 @!p0 $0xF7A, s2;
	p2 =	seq.s32 @!p0 s5, $0x0  }
0x1f: {  	s9 =	smul.u32 $0xF7A, s1;
	s8 =	simm.s32 @!p0 $0x1BF5;
	p2 =	por !p2, p0  }
0x20: {  	[sflag:s8] =	ssyncset.s32 @!p0 $0xFFFFF086;
	s6 =	sadd.s32 @!p0 s3, s7;
	s7 =	simm.s32 @!p0 $0x108  }
0x21: {  	s3 =	sadd.s32 s3, s9;
	s6 =	sadd.s32 @!p0 $0x88, s6;
	s7 =	simm.s32 @p2 $0x1082  }
0x22: {  	[simem:s7], [sflag:s8] =	dma.local @!p0 [hbm:s6], $0xF7A  }
0x23: {  	s9 =	sor.u32 $0xD0000000, s2;
	s6 =	simm.s32 $0x108;
	_ =	swait.ge @!p0 [sflag:s8], $0x0  }
0x24: {  	s3 =	sadd.s32 $0x88, s3;
	s6 =	simm.s32 @!p1 $0x1082;
	[sflag:s4] =	ssyncset.s32 $0xFFFFF086  }
0x25: {  	[simem:s6], [sflag:s4] =	dma.local [hbm:s3], $0xF7A  }
0x26: {  	[smem:$0x3F61] =	sst s1;
	(tag) =	ssettag s2;
	_ =	strace s9  }
0x27: {  	s1 =	sld [smem:$0x3F71]  }
0x28: {  	s2 =	sld [smem:$0x3F72]  }
0x29: {  	s4 =	sld [smem:$0x3F74]  }
0x2a: {  	p0 =	seq.s32 s5, $0x0;
	s5 =	sld [smem:$0x3F75]  }
0x2b: {  	s6 =	sld [smem:$0x3F76]  }
0x2c: {  	s7 =	sld [smem:$0x3F77]  }
0x2d: {  	s3 =	simm.s32 $0x108;
	s8 =	sld [smem:$0x3F78]  }
0x2e: {  	s3 =	simm.s32 @!p0 $0x1082;
	s9 =	sld [smem:$0x3F79]  }
0x2f: {  	lr =	sadd.s32 s0, s3;
	s0 =	sld [smem:$0x3F70]  }
0x30: {  	s3 =	sld [smem:$0x3F73]  }
0x31: {  	[smem:$0x3F7C] =	sst s10  }
0x32: {  	s10 =	sld [smem:$0x3F7A];
	_ =	sdelay $0x3  }
0x33: {  	p0 =	seq.s32 s10, $0x1;
	s10 =	sld [smem:$0x3F7C];
	_ =	sdelay $0x3  }
0x34: {  	[smem:$0x3F7C] =	sst s10  }
0x35: {  	s10 =	sld [smem:$0x3F7B];
	_ =	sdelay $0x3  }
0x36: {  	p1 =	seq.s32 s10, $0x1;
	s10 =	sld [smem:$0x3F7C];
	_ =	sdelay $0x3  }
0x37: {  	[smem:$0x3F7C] =	sst s10  }
0x38: {  	s10 =	sld [smem:$0x3F7D]  }
0x39: {  	_ = 	snop;
	(pc) =	sbr.ind lr, $3  }
0x3a: {  	_ = 	snop  }
0x3b: {  	_ = 	snop  }
0x3c: {  	p2 =	seq.s32 s10, $0x1;
	s10 =	sld [smem:$0x3F7C]  }
0x3d: {  	_ =	shalt  }
0x3e: {  	_ =	shalt  }
0x3f: {  	_ =	shalt  }
0x40: {  	_ =	shalt  }
0x41: {  	_ =	shalt  }
0x42: {  	_ =	shalt  }
0x43: {  	_ =	shalt  }
0x44: {  	_ =	shalt  }
0x45: {  	_ =	shalt  }
0x46: {  	_ =	shalt  }
0x47: {  	_ =	shalt  }
0x48: {  	_ =	shalt  }
0x49: {  	_ =	shalt  }
0x4a: {  	_ =	shalt  }
0x4b: {  	_ =	shalt  }
0x4c: {  	_ =	shalt  }
0x4d: {  	_ =	shalt  }
0x4e: {  	_ =	shalt  }
0x4f: {  	_ =	shalt  }
0x50: {  	_ =	shalt  }
0x51: {  	_ =	shalt  }
0x52: {  	_ =	shalt  }
0x53: {  	_ =	shalt  }
0x54: {  	_ =	shalt  }
0x55: {  	_ =	shalt  }
0x56: {  	_ =	shalt  }
0x57: {  	_ =	shalt  }
0x58: {  	_ =	shalt  }
0x59: {  	_ =	shalt  }
0x5a: {  	_ =	shalt  }
0x5b: {  	_ =	shalt  }
0x5c: {  	_ =	shalt  }
0x5d: {  	_ =	shalt  }
0x5e: {  	_ =	shalt  }
0x5f: {  	_ =	shalt  }
0x60: {  	_ =	shalt  }
0x61: {  	_ =	shalt  }
0x62: {  	_ =	shalt  }
0x63: {  	_ =	shalt  }
0x64: {  	_ =	shalt  }
0x65: {  	_ =	shalt  }
0x66: {  	_ =	shalt  }
0x67: {  	_ =	shalt  }
0x68: {  	_ =	shalt  }
0x69: {  	_ =	shalt  }
0x6a: {  	_ =	shalt  }
0x6b: {  	_ =	shalt  }
0x6c: {  	_ =	shalt  }
0x6d: {  	_ =	shalt  }
0x6e: {  	_ =	shalt  }
0x6f: {  	_ =	shalt  }
0x70: {  	_ =	shalt  }
0x71: {  	_ =	shalt  }
0x72: {  	_ =	shalt  }
0x73: {  	_ =	shalt  }
0x74: {  	_ =	shalt  }
0x75: {  	_ =	shalt  }
0x76: {  	_ =	shalt  }
0x77: {  	_ =	shalt  }
0x78: {  	_ =	shalt  }
0x79: {  	_ =	shalt  }
0x7a: {  	_ =	shalt  }
0x7b: {  	_ =	shalt  }
0x7c: {  	_ =	shalt  }
0x7d: {  	_ =	shalt  }
0x7e: {  	_ =	shalt  }
0x7f: {  	_ =	shalt  }
0x80: {  	_ =	shalt  }
0x81: {  	_ =	shalt  }
0x82: {  	_ =	shalt  }
0x83: {  	_ =	shalt  }
0x84: {  	_ =	shalt  }
0x85: {  	_ =	shalt  }
0x86: {  	_ =	shalt  }
0x87: {  	_ =	shalt  }
.Lfunc_end0:
.L_simem_size_0:
called_computation_lowered:
.L_overlay_start_0:
0x88: {  	s2 =	sld [smem:$0x3FD9]  }
0x89: {  	s3 =	sld [smem:$0x3FFE];
	_ =	sdelay $0x1  }
0x8a: {  	s1 =	srdreg.scid  }
0x8b: {  	s0 =	sand.u32 $0x1, s1  }
0x8c: {  	s17 =	sshll.u32 s0, $0xA;
	s2 =	sadd.s32 s3, s2  }
0x8d: {  	s2 =	sadd.s32 s2, s17  }
0x8e: {  	[smem:$0x3F88] =	sst s2  }
0x8f: {  	_ = 	snop  }
0x90: {  	s2 =	sld [smem:$0x3FD0];
	(tm) =	ssettm $0x1  }
0x91: {  	s18 =	sld [smem:$0x3FFB];
	_ =	sdelay $0x3  }
0x92: {  	_ =	strace s18  }
0x93: {  	s3 =	sld [smem:$0x3FFC];
	_ =	sdelay $0x3  }
0x94: {  	_ =	strace s3  }
0x95: {  	s3 =	sld [smem:$0x3FFD];
	_ =	sdelay $0x3  }
0x96: {  	_ =	strace s3  }
0x97: {  	_ =	strace $0x8FFFFFFF  }
0x98: {  	s19 =	sld [smem:$0x3FDB];
	_ =	sdelay $0x1  }
0x99: {  	s4 =	simm.s32 $_scs_section_size  }
0x9a: {  	s5 =	simm.s32 $_size__tile_overlayer_lowered;
	s6 =	simm.s32 $_tile_overlayer_lowered  }
0x9b: {  	s22 =	simm.s32 $0x1BFF;
	s21 =	sshll.u32 s6, $0x1;
	s3 =	sadd.s32 s4, s19  }
0x9c: {  	s7 =	simm.s32 $0x0;
	s20 =	sshll.u32 s5, $0x1;
	s5 =	sadd.s32 s21, s3  }
0x9d: {  	[timem:s7], [sflag:s22] =	dma.local [hbm:s5], s20  }
0x9e: {  	_ =	swait.ge [sflag:s22], s20  }
0x9f: {  	s4 =	ssub.s32 $0x0, s20;
	[sflag:s22] =	ssyncset.done $0x0  }
0xa0: {  	[sflag:s22] =	ssyncadd.s32 s4;
	_ =	sdelay $0x1  }
0xa1: {  	s23 =	simm.s32 $0x1B8B  }
0xa2: {  	_ =	swait.ge [sflag:s23], $0x1  }
0xa3: {  	[sflag:s23] =	ssyncset.done $0x0  }
0xa4: {  	s25 =	simm.s32 $0x1B8E;
	s24 =	sld [smem:$0x3FFE];
	[sflag:s23] =	ssyncadd.s32 $0xFFFFFFFF  }
0xa5: {  	s26 =	simm.s32 $execute0_lowered;
	[smem:$0x3FD2] =	sst s25  }
0xa6: {  	s5 =	sshll.u32 s26, $0x1;
	_ =	strace $0x80000046;
	[dreg:$0x1] =	wrdreg $0xFFFFFFFF  }
0xa7: {  	s28 =	simm.s32 $_size_execute0_lowered;
	s3 =	sadd.s32 s3, s5;
	[dreg:$0x0] =	wrdreg $0x0  }
0xa8: {  	s5 =	sshll.u32 s28, $0x1;
	[dreg:$0x2] =	wrdreg s3  }
0xa9: {  	[dreg:$0x3] =	wrdreg s5  }
0xaa: {  	[dreg:$0x4] =	wrdreg $0xC0  }
0xab: {  	_ =	task [dreg:s7], $0x5FFFF  }
0xac: {  	[dreg:$0x1] =	wrdreg $0xFFFFFFFF  }
0xad: {  	[dreg:$0x0] =	wrdreg $0x60  }
0xae: {  	[dreg:$0x2] =	wrdreg s24  }
0xaf: {  	[dreg:$0x3] =	wrdreg s2  }
0xb0: {  	[dreg:$0x4] =	wrdreg $0x9  }
0xb1: {  	_ =	task.clear_ibuf [dreg:s7], $0x5FFFF;
	_ =	strace $0x90000046  }
0xb2: {  	s29 =	simm.s32 $0x9;
	_ =	strace $0x80000048  }
0xb3: {  	_ =	swait.ge [sflag:s29], $0x1  }
0xb4: {  	[sflag:s29] =	ssyncadd.s32 $0xFFFFFFFF  }
0xb5: {  	_ =	strace $0x90000048  }
0xb6: {  	_ =	sfence  }
0xb7: {  	s30 =	sld [smem:$0x0];
	_ =	sdelay $0x2  }
0xb8: {  	s31 =	sshll.u32 s1, $0xD;
	s1 =	sshrl.u32 s1, $0x2  }
0xb9: {  	s3 =	sand.u32 $0x4000, s31;
	s1 =	sadd.s32 s1, s30  }
0xba: {  	s0 =	sor.u32 s3, s0;
	s1 =	sshll.u32 s1, $0x11  }
0xbb: {  	s0 =	sor.u32 s1, s0  }
0xbc: {  	s0 =	sadd.s32 $0x8F2B, s0  }
0xbd: {  	[sflag:s0] =	ssyncadd.remote.s32 $0x1  }
0xbe: {  	_ =	sfence.sel $0xFFFF  }
0xbf: {  	[dreg:$0x0] =	wrdreg $0xFFFFFFFF;
	(pc) =	sbr.abs _section_cstart, $3  }
0xc0: {  	[dreg:$0x1] =	wrdreg $0xFFFFFFFF  }
0xc1: {  	_ =	task.clear_ibuf [dreg:s7], $0x2FFFF;
	_ =	strace $0x9FFFFFFF  }
0xc2: {  	(tm) =	ssettm $0x7FFFFFFF  }
0xc3: {  	_ =	shalt  }
tec
execute0_lowered:
.L_overlay_start_1:
0x0: {  	(tag) =	ssettag $0x1  }
0x1: {  	s1 =	srdreg.scid;
	s5 =	rddreg [dreg:$0x0]  }
0x2: {  	s0 =	stileid.u32;
	s2 =	rddreg [dreg:$0x1];
	s6 =	simm.s32 $0x1  }
0x3: {  	s9 =	simm.s32 $0x1;
	s10 =	simm.s32 $0x3;
	s1 =	sshll.u32 s1, $0x8  }
0x4: {  	s13 =	simm.s32 $0x0;
	s3 =	sshll.u32 s0, $0x9;
	s4 =	sand.u32 $0x100, s1  }
0x5: {  	s12 =	simm.s32 $0x0;
	s1 =	rddreg [dreg:$0x2];
	s3 =	sor.u32 s3, s4  }
0x6: {  	_ =	strace $0x80000047;
	s4 =	sadd.s32 $0x4800, s5;
	s8 =	ssub.s32 $0x4000, s3  }
.Ltmp0:
0x7: {  	s5 =	sadd.s32 $0x4000, s5;
	s7 =	sand.u32 $0x1F00, s8;
	(pc) =	sbr.rel .LBB2_1-.Ltmp0, $4  }
0x8: {  	[sflag:s6] =	ssyncpa.u1 $0x0;
	s11 =	smov.u32 s3;
	p0 =	sne.s32 s7, $0x0  }
0x9: {  	s8 =	sshrl.u32 s8, $0xD;
	s7 =	simm.s32 $0x2;
	s9 =	simm.s32 @!p0 $0x0  }
0xa: {  	[sflag:s7] =	ssyncpa.u1 $0x0;
	p0 =	por $0x0, $0x0;
	s8 =	sadd.s32 s9, s8  }
0xb: {  	vm0 =	vmmov $0xffff;
	[sflag:s10] =	ssyncpa.u1 $0x0;
	s10 =	simm.s32 $0x0;
	s9 =	sadd.s32 $0x1, s8  }
.LBB2_4:
0xc: {  	v5 =	vshrl.u32 v1, $0xE;
	v6 =	vshll.u32 v1, $0x7  }
0xd: {  	vm1 =	veq.s32 v1, $0x80000000;
	v58 =	vand.u32 $0x7, v5;
	v59 =	vand.u32 $0x1FFF80, v6  }
0xe: {  	v1 =	vsel vm1, $0xFFFFFFFF, v58;
	v5 =	vsel vm1, $0xFFFFFF80, v59  }
0xf: {  	v3 =	vor.u32 v4, v3;
	v60 =	vand.u32 $0xFFFFFC00, v5;
	v61 =	vand.u32 $0xFFFFFC00, v1  }
0x10: {  	v2 =	vor.u32 v2, v3;
	v63 =	vand.u32 $0x380, v5;
	v62 =	vadd.s32 v61, v60  }
0x11: {  	v1 =	vand.u32 $0x7F, v1;
	v3 =	vor.u32 v63, v62  }
0x12: {  	v1 =	vor.u32 v1, v3  }
0x13: {  	[tilespmem:s15], [sflag:$0x1] =	stream.indirect_vreg.gather [hbm4b:s4+s10], $0x1, v0, vm0, $0x4038;
	[tilespmem:$0x400] =	vst v63  }
0x14: {  	(ifvalue) =	ssetifvalue $0x7FFFFFFF  }
0x15: {  	[tilespmem:s16], [sflag:$0x1] =	stream.indirect_vreg.gather [hbm4b:s4+s10], $0x1, v2, vm0, $0x4038;
	[tilespmem:$0x400] =	vst v63  }
0x16: {  	s29 =	sadd.s32 $0x10, s16;
	(ifvalue) =	ssetifvalue $0x7FFFFFFF  }
0x17: {  	[tilespmem:s29], [sflag:$0x1] =	stream.indirect_vreg.gather [hbm4b:s4+s10], $0x1, v1, vm0, $0x4038;
	[tilespmem:$0x400] =	vst v63  }
0x18: {  	_ =	swait.ge [sflag:s6], $0x100  }
0x19: {  	s30 =	sshrl.u32 s13, $0x3;
	[sflag:s6] =	ssyncset.done $0x0  }
0x1a: {  	s31 =	sand.u32 $0x7, s13;
	s15 =	sadd.s32 s2, s30;
	[sflag:s6] =	ssyncadd.s32 $0xFFFFFF00  }
0x1b: {  	[hbm4b:s15+s31] =	stream.linear.scatter [tilespmem:s14], [sflag:$0x3], $0x100, $0x38;
	[tilespmem:$0x400] =	vst v63  }
.LBB2_5:
0x1c: {  	s15 =	sadd.s32 $0x2000, s11  }
0x1d: {  	p2 =	sgt.s32 s15, $0x3FFF  }
0x1e: {  	s15 =	smov.u32 @p2 s3;
	p2 =	sne.s32 s12, s9  }
.Ltmp1:
0x1f: {  	p1 =	slt.u32 s12, $0x2;
	(pc) =	sbr.rel @!p2 .LBB2_6-.Ltmp1, $4  }
0x20: {  	s14 =	simm.s32 @!p1 $0x3  }
0x21: {  	s16 =	sadd.s32 $0x1, s12;
	_ =	swait.ge @!p1 [sflag:s14], $0x100  }
0x22: {  	s13 =	smov.u32 s11;
	p0 =	por !p0, !p0;
	[sflag:s14] =	ssyncset.done @!p1 $0x0  }
0x23: {  	s12 =	smov.u32 s16;
	s11 =	smov.u32 s15;
	[sflag:s14] =	ssyncadd.s32 @!p1 $0xFFFFFF00  }
.LBB2_1:
0x24: {  	p1 =	sge.u32 s12, s8  }
0x25: {  	s14 =	sxor.u32 @!p1 $0xFFFFFFFF, s12  }
0x26: {  	s31 =	sadd.s32 $0xFFFFFFFF, s12;
	s15 =	sshrl.u32 @!p1 s11, $0x3;
	s14 =	sshll.u32 @!p1 s14, $0x8  }
0x27: {  	s16 =	sand.u32 @!p1 $0x7, s11;
	s15 =	sadd.s32 @!p1 s5, s15;
	s14 =	sand.u32 @!p1 $0x100, s14  }
0x28: {  	[tilespmem:s14], [sflag:$0x2] =	stream.linear.gather @!p1 [hbm4b:s15+s16], $0x100, $0x38;
	[tilespmem:$0x400] =	vst v63  }
0x29: {  	p1 =	sge.u32 s31, s8  }
.Ltmp2:
0x2a: {  	_ = 	snop;
	(pc) =	sbr.rel @p1 .LBB2_5-.Ltmp2, $1  }
0x2b: {  	_ =	sdelay $0x3  }
0x2c: {  	s14 =	simm.s32 $0x1  }
0x2d: {  	_ =	swait.ge [sflag:s7], $0x100;
	s14 =	simm.s32 @!p0 $0x0  }
0x2e: {  	[sflag:s7] =	ssyncset.done $0x0;
	s14 =	sshll.u32 s14, $0x8  }
0x2f: {  	[sflag:s7] =	ssyncadd.s32 $0xFFFFFF00;
	(ifvalue) =	ssetifvalue $0x7FFFFFFF;
	v0 =	vld.msk [tilespmem:s14+$0x0 ss:$0x1], $0xffff;
	_ =	sdelay $0x4  }
0x30: {  	s15 =	sadd.s32 $0x10, s14;
	v2 =	vshrl.u32 v0, $0xE;
	v3 =	vshll.u32 v0, $0x7  }
0x31: {  	v1 =	vld.msk [tilespmem:s15+$0x0 ss:$0x1], $0xffff;
	vm1 =	veq.s32 v0, $0x80000000;
	v0 =	vand.u32 $0x7, v2;
	v2 =	vand.u32 $0x1FFF80, v3  }
0x32: {  	v0 =	vsel vm1, $0xFFFFFFFF, v0;
	v2 =	vsel vm1, $0xFFFFFF80, v2  }
0x33: {  	v3 =	vand.u32 $0xFFFFFC00, v2;
	v4 =	vand.u32 $0xFFFFFC00, v0  }
0x34: {  	v2 =	vand.u32 $0x380, v2;
	v3 =	vadd.s32 v4, v3  }
0x35: {  	v0 =	vand.u32 $0x7F, v0;
	v2 =	vor.u32 v2, v3  }
0x36: {  	v5 =	vshll.u32 v1, $0x7;
	v4 =	vshrl.u32 v1, $0xE;
	v0 =	vor.u32 v0, v2  }
0x37: {  	s16 =	sshll.u32 s12, $0x8;
	vm1 =	veq.s32 v1, $0x80000000;
	v1 =	vand.u32 $0x7, v4;
	v4 =	vand.u32 $0x1FFF80, v5  }
0x38: {  	s16 =	sand.u32 $0x100, s16;
	s18 =	sadd.s32 $0x10, s15;
	v3 =	vsel vm1, $0xFFFFFFFF, v1;
	v4 =	vsel vm1, $0xFFFFFF80, v4  }
0x39: {  	s17 =	simm.s32 $0x20;
	s15 =	sor.u32 $0x200, s14;
	s14 =	sor.u32 $0x200, s16;
	v1 =	vld.msk [tilespmem:s18+$0x0 ss:$0x1], $0xffff;
	v5 =	vand.u32 $0xFFFFFC00, v4;
	v6 =	vand.u32 $0xFFFFFC00, v3  }
0x3a: {  	s16 =	sadd.s32 $0x10, s15;
	s18 =	sadd.s32 $0x10, s18;
	(ifvalue) =	ssetifvalue $0x7FFFFFFF;
	v2 =	vand.u32 $0x7F, v3;
	v4 =	vand.u32 $0x380, v4;
	v3 =	vadd.s32 v6, v5  }
.LBB2_3:
0x3b: {  	[tilespmem:s15], [sflag:$0x1] =	stream.indirect_vreg.gather [hbm4b:s4+s10], $0x1, v0, vm0, $0x4038;
	[tilespmem:$0x400] =	vst v63  }
0x3c: {  	s17 =	sadd.s32 $0x10, s17  }
0x3d: {  	v3 =	vor.u32 v4, v3;
	p1 =	slt.u32 s17, $0xF0  }
.Ltmp3:
0x3e: {  	v4 =	vshrl.u32 v1, $0xE;
	v5 =	vshll.u32 v1, $0x7;
	s15 =	smov.u32 s16;
	v0 =	vor.u32 v2, v3;
	v2 =	vmovc v1;
	v1 =	vld.msk [tilespmem:s18+$0x0 ss:$0x1], $0xffff;
	(pc) =	sbr.rel @p1 .LBB2_3-.Ltmp3, $4  }
0x3f: {  	v3 =	vand.u32 $0x1FFF80, v5;
	vm1 =	veq.s32 v2, $0x80000000;
	v2 =	vand.u32 $0x7, v4  }
0x40: {  	v4 =	vsel vm1, $0xFFFFFFFF, v2;
	v5 =	vsel vm1, $0xFFFFFF80, v3  }
0x41: {  	v2 =	vand.u32 $0x7F, v4;
	v3 =	vand.u32 $0xFFFFFC00, v5;
	v4 =	vand.u32 $0xFFFFFC00, v4  }
0x42: {  	s16 =	sadd.s32 $0x10, s16;
	s18 =	sadd.s32 $0x10, s18;
	v3 =	vadd.s32 v4, v3;
	v4 =	vand.u32 $0x380, v5;
	(ifvalue) =	ssetifvalue $0x7FFFFFFF  }
.Ltmp4:
0x43: {  	_ = 	snop;
	(pc) =	sbr.rel .LBB2_4-.Ltmp4, $1  }
0x44: {  	_ =	sdelay $0x3  }
.LBB2_6:
0x45: {  	_ =	sfence.sel $0x180000  }
0x46: {  	s2 =	simm.s32 $0x2;
	[bflag:$0x0] =	sbarrier.arrive $0xFFFF  }
0x47: {  	s30 =	simm.s32 $0x3;
	[sflag:s2] =	ssyncpa.u1 $0x1  }
0x48: {  	s31 =	simm.s32 $0x1;
	[sflag:s30] =	ssyncpa.u1 $0x1  }
0x49: {  	[sflag:s31] =	ssyncpa.u1 $0x1  }
0x4a: {  	p0 =	sne.s32 s0, $0x0;
	_ =	strace $0x90000047  }
0x4b: {  	s0 =	sadd.s32 @!p0 $0x100000, s1;
	[bflag:$0x2] =	sbarrier.arrive $0xFFFF  }
0x4c: {  	[sflag:s0] =	ssyncadd.tile.s32 @!p0 $0x1;
	_ =	shalt  }
.Lfunc_end2:
_tile_overlayer_lowered:
.L_overlay_start_2:
0x4d: {  	(tag) =	ssettag $0x2  }
0x4e: {  	s0 =	rddreg [dreg:$0x0];
	s2 =	stileid.u32  }
0x4f: {  	s1 =	rddreg [dreg:$0x1];
	p0 =	sne.s32 s2, $0x0  }
0x50: {  	s3 =	rddreg [dreg:$0x2];
	[bflag:$0x3] =	sbarrier.arrive $0xFFFF;
	s2 =	simm.s32 @!p0 $0x1C01  }
0x51: {  	[timem:s3], [sflag:s2] =	dma.local @!p0 [hbm:s0], s1  }
0x52: {  	s0 =	simm.s32 @!p0 $0x1  }
0x53: {  	_ =	swait.ge @!p0 [sflag:s0], s1  }
0x54: {  	s1 =	ssub.s32 @!p0 $0x0, s1;
	[sflag:s0] =	ssyncset.done @!p0 $0x0  }
0x55: {  	[sflag:s0] =	ssyncadd.s32 @!p0 s1  }
0x56: {  	[bflag:$0x3] =	sbarrier.arrive $0xFFFF  }
0x57: {  	_ =	shalt  }

// kernel: kernel.5.cloned.1.call-start
scs
__scs_entry_jumppad:
0x0: {  	(pc) =	sbr.rel $0x88, $3  }
0x1: {  	(tag) =	ssettag $0x0;
	lr =	simm.s32 $0x1  }
0x2: {  	[smem:$0x3F61] =	sst lr;
	_ =	strace $0xD0000000  }
0x3: {  	_ = 	snop  }
0x4: {  	_ = 	snop  }
0x5: {  	_ = 	snop  }
0x6: {  	_ = 	snop  }
0x7: {  	_ = 	snop  }
__scs_overlays_trampoline_lowered:
0x8: {  	[smem:$0x3F70] =	sst s0  }
0x9: {  	[smem:$0x3F71] =	sst s1  }
0xa: {  	[smem:$0x3F72] =	sst s2  }
0xb: {  	[smem:$0x3F73] =	sst s3  }
0xc: {  	[smem:$0x3F74] =	sst s4  }
0xd: {  	[smem:$0x3F75] =	sst s5  }
0xe: {  	[smem:$0x3F76] =	sst s6  }
0xf: {  	[smem:$0x3F77] =	sst s7  }
0x10: {  	[smem:$0x3F78] =	sst s8  }
0x11: {  	[smem:$0x3F79] =	sst s9;
	s0 =	simm.s32 @!p0 $0x0  }
0x12: {  	s1 =	sld [smem:$0x3F5F];
	s0 =	simm.s32 @p0 $0x1  }
0x13: {  	[smem:$0x3F7A] =	sst s0;
	s0 =	simm.s32 @!p1 $0x0  }
0x14: {  	s2 =	sld [smem:$0x3F5E];
	s0 =	simm.s32 @p1 $0x1  }
0x15: {  	[smem:$0x3F7B] =	sst s0;
	s0 =	simm.s32 @!p2 $0x0  }
0x16: {  	s3 =	sld [smem:$0x3FDB];
	s0 =	simm.s32 @p2 $0x1  }
0x17: {  	s4 =	simm.s32 $0x1BF5;
	[smem:$0x3F7D] =	sst s0  }
0x18: {  	s0 =	sld [smem:$0x3F60];
	_ =	swait.ge [sflag:s4], $0x0  }
0x19: {  	s7 =	sld [smem:$0x3F61]  }
0x1a: {  	s8 =	sadd.s32 $0xFFFFE003, lr  }
0x1b: {  	s9 =	sadd.s32 $0xFFFFFEF7, lr;
	s5 =	simm.s32 $0xFFFFFFFF;
	p2 =	slt.u32 s8, $0xFFFFF086  }
0x1c: {  	p1 =	slt.u32 s9, $0xF7A;
	s5 =	simm.s32 @!p2 $0x0  }
0x1d: {  	s5 =	simm.s32 @p1 $0x1;
	p0 =	seq.s32 s7, s2  }
0x1e: {  	s7 =	smul.u32 @!p0 $0xF7A, s2;
	p2 =	seq.s32 @!p0 s5, $0x0  }
0x1f: {  	s9 =	smul.u32 $0xF7A, s1;
	s8 =	simm.s32 @!p0 $0x1BF5;
	p2 =	por !p2, p0  }
0x20: {  	[sflag:s8] =	ssyncset.s32 @!p0 $0xFFFFF086;
	s6 =	sadd.s32 @!p0 s3, s7;
	s7 =	simm.s32 @!p0 $0x108  }
0x21: {  	s3 =	sadd.s32 s3, s9;
	s6 =	sadd.s32 @!p0 $0x88, s6;
	s7 =	simm.s32 @p2 $0x1082  }
0x22: {  	[simem:s7], [sflag:s8] =	dma.local @!p0 [hbm:s6], $0xF7A  }
0x23: {  	s9 =	sor.u32 $0xD0000000, s2;
	s6 =	simm.s32 $0x108;
	_ =	swait.ge @!p0 [sflag:s8], $0x0  }
0x24: {  	s3 =	sadd.s32 $0x88, s3;
	s6 =	simm.s32 @!p1 $0x1082;
	[sflag:s4] =	ssyncset.s32 $0xFFFFF086  }
0x25: {  	[simem:s6], [sflag:s4] =	dma.local [hbm:s3], $0xF7A  }
0x26: {  	[smem:$0x3F61] =	sst s1;
	(tag) =	ssettag s2;
	_ =	strace s9  }
0x27: {  	s1 =	sld [smem:$0x3F71]  }
0x28: {  	s2 =	sld [smem:$0x3F72]  }
0x29: {  	s4 =	sld [smem:$0x3F74]  }
0x2a: {  	p0 =	seq.s32 s5, $0x0;
	s5 =	sld [smem:$0x3F75]  }
0x2b: {  	s6 =	sld [smem:$0x3F76]  }
0x2c: {  	s7 =	sld [smem:$0x3F77]  }
0x2d: {  	s3 =	simm.s32 $0x108;
	s8 =	sld [smem:$0x3F78]  }
0x2e: {  	s3 =	simm.s32 @!p0 $0x1082;
	s9 =	sld [smem:$0x3F79]  }
0x2f: {  	lr =	sadd.s32 s0, s3;
	s0 =	sld [smem:$0x3F70]  }
0x30: {  	s3 =	sld [smem:$0x3F73]  }
0x31: {  	[smem:$0x3F7C] =	sst s10  }
0x32: {  	s10 =	sld [smem:$0x3F7A];
	_ =	sdelay $0x3  }
0x33: {  	p0 =	seq.s32 s10, $0x1;
	s10 =	sld [smem:$0x3F7C];
	_ =	sdelay $0x3  }
0x34: {  	[smem:$0x3F7C] =	sst s10  }
0x35: {  	s10 =	sld [smem:$0x3F7B];
	_ =	sdelay $0x3  }
0x36: {  	p1 =	seq.s32 s10, $0x1;
	s10 =	sld [smem:$0x3F7C];
	_ =	sdelay $0x3  }
0x37: {  	[smem:$0x3F7C] =	sst s10  }
0x38: {  	s10 =	sld [smem:$0x3F7D]  }
0x39: {  	_ = 	snop;
	(pc) =	sbr.ind lr, $3  }
0x3a: {  	_ = 	snop  }
0x3b: {  	_ = 	snop  }
0x3c: {  	p2 =	seq.s32 s10, $0x1;
	s10 =	sld [smem:$0x3F7C]  }
0x3d: {  	_ =	shalt  }
0x3e: {  	_ =	shalt  }
0x3f: {  	_ =	shalt  }
0x40: {  	_ =	shalt  }
0x41: {  	_ =	shalt  }
0x42: {  	_ =	shalt  }
0x43: {  	_ =	shalt  }
0x44: {  	_ =	shalt  }
0x45: {  	_ =	shalt  }
0x46: {  	_ =	shalt  }
0x47: {  	_ =	shalt  }
0x48: {  	_ =	shalt  }
0x49: {  	_ =	shalt  }
0x4a: {  	_ =	shalt  }
0x4b: {  	_ =	shalt  }
0x4c: {  	_ =	shalt  }
0x4d: {  	_ =	shalt  }
0x4e: {  	_ =	shalt  }
0x4f: {  	_ =	shalt  }
0x50: {  	_ =	shalt  }
0x51: {  	_ =	shalt  }
0x52: {  	_ =	shalt  }
0x53: {  	_ =	shalt  }
0x54: {  	_ =	shalt  }
0x55: {  	_ =	shalt  }
0x56: {  	_ =	shalt  }
0x57: {  	_ =	shalt  }
0x58: {  	_ =	shalt  }
0x59: {  	_ =	shalt  }
0x5a: {  	_ =	shalt  }
0x5b: {  	_ =	shalt  }
0x5c: {  	_ =	shalt  }
0x5d: {  	_ =	shalt  }
0x5e: {  	_ =	shalt  }
0x5f: {  	_ =	shalt  }
0x60: {  	_ =	shalt  }
0x61: {  	_ =	shalt  }
0x62: {  	_ =	shalt  }
0x63: {  	_ =	shalt  }
0x64: {  	_ =	shalt  }
0x65: {  	_ =	shalt  }
0x66: {  	_ =	shalt  }
0x67: {  	_ =	shalt  }
0x68: {  	_ =	shalt  }
0x69: {  	_ =	shalt  }
0x6a: {  	_ =	shalt  }
0x6b: {  	_ =	shalt  }
0x6c: {  	_ =	shalt  }
0x6d: {  	_ =	shalt  }
0x6e: {  	_ =	shalt  }
0x6f: {  	_ =	shalt  }
0x70: {  	_ =	shalt  }
0x71: {  	_ =	shalt  }
0x72: {  	_ =	shalt  }
0x73: {  	_ =	shalt  }
0x74: {  	_ =	shalt  }
0x75: {  	_ =	shalt  }
0x76: {  	_ =	shalt  }
0x77: {  	_ =	shalt  }
0x78: {  	_ =	shalt  }
0x79: {  	_ =	shalt  }
0x7a: {  	_ =	shalt  }
0x7b: {  	_ =	shalt  }
0x7c: {  	_ =	shalt  }
0x7d: {  	_ =	shalt  }
0x7e: {  	_ =	shalt  }
0x7f: {  	_ =	shalt  }
0x80: {  	_ =	shalt  }
0x81: {  	_ =	shalt  }
0x82: {  	_ =	shalt  }
0x83: {  	_ =	shalt  }
0x84: {  	_ =	shalt  }
0x85: {  	_ =	shalt  }
0x86: {  	_ =	shalt  }
0x87: {  	_ =	shalt  }
.Lfunc_end0:
.L_simem_size_0:
called_computation.1_lowered:
.L_overlay_start_0:
0x88: {  	s2 =	sld [smem:$0x3FD9]  }
0x89: {  	s3 =	sld [smem:$0x3FFE];
	_ =	sdelay $0x1  }
0x8a: {  	s1 =	srdreg.scid  }
0x8b: {  	s0 =	sand.u32 $0x1, s1  }
0x8c: {  	s17 =	sshll.u32 s0, $0xA;
	s2 =	sadd.s32 s3, s2  }
0x8d: {  	s2 =	sadd.s32 s2, s17  }
0x8e: {  	[smem:$0x3F88] =	sst s2  }
0x8f: {  	_ = 	snop  }
0x90: {  	s2 =	sld [smem:$0x3FD0];
	(tm) =	ssettm $0x1  }
0x91: {  	s18 =	sld [smem:$0x3FFB];
	_ =	sdelay $0x3  }
0x92: {  	_ =	strace s18  }
0x93: {  	s3 =	sld [smem:$0x3FFC];
	_ =	sdelay $0x3  }
0x94: {  	_ =	strace s3  }
0x95: {  	s3 =	sld [smem:$0x3FFD];
	_ =	sdelay $0x3  }
0x96: {  	_ =	strace s3  }
0x97: {  	_ =	strace $0x8FFFFFFF  }
0x98: {  	s19 =	sld [smem:$0x3FDB];
	_ =	sdelay $0x1  }
0x99: {  	s4 =	simm.s32 $_scs_section_size  }
0x9a: {  	s5 =	simm.s32 $_size__tile_overlayer_lowered;
	s6 =	simm.s32 $_tile_overlayer_lowered  }
0x9b: {  	s22 =	simm.s32 $0x1BFF;
	s21 =	sshll.u32 s6, $0x1;
	s3 =	sadd.s32 s4, s19  }
0x9c: {  	s7 =	simm.s32 $0x0;
	s20 =	sshll.u32 s5, $0x1;
	s5 =	sadd.s32 s21, s3  }
0x9d: {  	[timem:s7], [sflag:s22] =	dma.local [hbm:s5], s20  }
0x9e: {  	_ =	swait.ge [sflag:s22], s20  }
0x9f: {  	s4 =	ssub.s32 $0x0, s20;
	[sflag:s22] =	ssyncset.done $0x0  }
0xa0: {  	[sflag:s22] =	ssyncadd.s32 s4;
	_ =	sdelay $0x1  }
0xa1: {  	s23 =	simm.s32 $0x1B8B  }
0xa2: {  	_ =	swait.ge [sflag:s23], $0x1  }
0xa3: {  	[sflag:s23] =	ssyncset.done $0x0  }
0xa4: {  	s25 =	simm.s32 $0x1B8E;
	s24 =	sld [smem:$0x3FFE];
	[sflag:s23] =	ssyncadd.s32 $0xFFFFFFFF  }
0xa5: {  	s26 =	simm.s32 $execute0_lowered;
	[smem:$0x3FD2] =	sst s25  }
0xa6: {  	s5 =	sshll.u32 s26, $0x1;
	_ =	strace $0x80000049;
	[dreg:$0x1] =	wrdreg $0xFFFFFFFF  }
0xa7: {  	s28 =	simm.s32 $_size_execute0_lowered;
	s3 =	sadd.s32 s3, s5;
	[dreg:$0x0] =	wrdreg $0x0  }
0xa8: {  	s5 =	sshll.u32 s28, $0x1;
	[dreg:$0x2] =	wrdreg s3  }
0xa9: {  	[dreg:$0x3] =	wrdreg s5  }
0xaa: {  	[dreg:$0x4] =	wrdreg $0xC0  }
0xab: {  	_ =	task [dreg:s7], $0x5FFFF  }
0xac: {  	[dreg:$0x1] =	wrdreg $0xFFFFFFFF  }
0xad: {  	[dreg:$0x0] =	wrdreg $0x60  }
0xae: {  	[dreg:$0x2] =	wrdreg s24  }
0xaf: {  	[dreg:$0x3] =	wrdreg s2  }
0xb0: {  	[dreg:$0x4] =	wrdreg $0x9  }
0xb1: {  	_ =	task.clear_ibuf [dreg:s7], $0x5FFFF;
	_ =	strace $0x90000049  }
0xb2: {  	s29 =	simm.s32 $0x9;
	_ =	strace $0x8000004B  }
0xb3: {  	_ =	swait.ge [sflag:s29], $0x1  }
0xb4: {  	[sflag:s29] =	ssyncadd.s32 $0xFFFFFFFF  }
0xb5: {  	_ =	strace $0x9000004B  }
0xb6: {  	_ =	sfence  }
0xb7: {  	s30 =	sld [smem:$0x0];
	_ =	sdelay $0x2  }
0xb8: {  	s31 =	sshll.u32 s1, $0xD;
	s1 =	sshrl.u32 s1, $0x2  }
0xb9: {  	s3 =	sand.u32 $0x4000, s31;
	s1 =	sadd.s32 s1, s30  }
0xba: {  	s0 =	sor.u32 s3, s0;
	s1 =	sshll.u32 s1, $0x11  }
0xbb: {  	s0 =	sor.u32 s1, s0  }
0xbc: {  	s0 =	sadd.s32 $0x8F2B, s0  }
0xbd: {  	[sflag:s0] =	ssyncadd.remote.s32 $0x1  }
0xbe: {  	_ =	sfence.sel $0xFFFF  }
0xbf: {  	[dreg:$0x0] =	wrdreg $0xFFFFFFFF;
	(pc) =	sbr.abs _section_cstart, $3  }
0xc0: {  	[dreg:$0x1] =	wrdreg $0xFFFFFFFF  }
0xc1: {  	_ =	task.clear_ibuf [dreg:s7], $0x2FFFF;
	_ =	strace $0x9FFFFFFF  }
0xc2: {  	(tm) =	ssettm $0x7FFFFFFF  }
0xc3: {  	_ =	shalt  }
tec
execute0_lowered:
.L_overlay_start_1:
0x0: {  	(tag) =	ssettag $0x1  }
0x1: {  	s1 =	srdreg.scid;
	s0 =	stileid.u32  }
0x2: {  	s22 =	sand.u32 $0x1, s1;
	s30 =	sshll.u32 s0, $0x1  }
0x3: {  	s21 =	sor.u32 s22, s30  }
0x4: {  	s13 =	rddreg [dreg:$0x0];
	s3 =	smul.u32 $0x280, s21  }
0x5: {  	s20 =	rddreg [dreg:$0x1]  }
0x6: {  	s2 =	simm.s32 $0x0;
	s1 =	rddreg [dreg:$0x2];
	s3 =	sshrl.u32 s3, $0x3  }
0x7: {  	[smem:$0x7FF] =	sst s2;
	s11 =	sadd.s32 s3, s13  }
0x8: {  	_ =	strace $0x8000004A;
	s3 =	simm.s32 $0x2;
	s4 =	sadd.s32 $0x4000, s11  }
0x9: {  	[tilespmem:s2], [sflag:$0x2] =	stream.linear.gather [hbm4b:s4+s2], $0x80, $0x38;
	[tilespmem:$0x14400] =	vst v63  }
0xa: {  	_ =	swait.ge [sflag:s3], $0x80  }
0xb: {  	[sflag:s3] =	ssyncset.done $0x0  }
0xc: {  	s6 =	simm.s32 $0x80;
	s5 =	sadd.s32 $0x4010, s11;
	[sflag:s3] =	ssyncadd.s32 $0xFFFFFF80  }
0xd: {  	[tilespmem:s6], [sflag:$0x2] =	stream.linear.gather [hbm4b:s5+s2], $0x80, $0x38;
	[tilespmem:$0x14400] =	vst v63  }
0xe: {  	_ =	swait.ge [sflag:s3], $0x80  }
0xf: {  	[sflag:s3] =	ssyncset.done $0x0  }
0x10: {  	s8 =	simm.s32 $0x100;
	s7 =	sadd.s32 $0x4020, s11;
	[sflag:s3] =	ssyncadd.s32 $0xFFFFFF80  }
0x11: {  	[tilespmem:s8], [sflag:$0x2] =	stream.linear.gather [hbm4b:s7+s2], $0x80, $0x38;
	[tilespmem:$0x14400] =	vst v63  }
0x12: {  	_ =	swait.ge [sflag:s3], $0x80  }
0x13: {  	[sflag:s3] =	ssyncset.done $0x0  }
0x14: {  	s10 =	simm.s32 $0x180;
	s9 =	sadd.s32 $0x4030, s11;
	[sflag:s3] =	ssyncadd.s32 $0xFFFFFF80  }
0x15: {  	[tilespmem:s10], [sflag:$0x2] =	stream.linear.gather [hbm4b:s9+s2], $0x80, $0x38;
	[tilespmem:$0x14400] =	vst v63  }
0x16: {  	_ =	swait.ge [sflag:s3], $0x80  }
0x17: {  	[sflag:s3] =	ssyncset.done $0x0  }
0x18: {  	s12 =	simm.s32 $0x200;
	s11 =	sadd.s32 $0x4040, s11;
	[sflag:s3] =	ssyncadd.s32 $0xFFFFFF80  }
0x19: {  	[tilespmem:s12], [sflag:$0x2] =	stream.linear.gather [hbm4b:s11+s2], $0x80, $0x38;
	[tilespmem:$0x14400] =	vst v63  }
0x1a: {  	_ =	swait.ge [sflag:s3], $0x80  }
0x1b: {  	[sflag:s3] =	ssyncset.done $0x0  }
0x1c: {  	s14 =	simm.s32 $0x400;
	s13 =	sadd.s32 $0x45400, s13;
	[sflag:s3] =	ssyncadd.s32 $0xFFFFFF80  }
0x1d: {  	[tilespmem:s14], [sflag:$0x1] =	stream.indirect.gather [hbm4b:s13+s6], $0x80, s2, s6, $0xb8;
	[tilespmem:$0x14400] =	vst v63  }
0x1e: {  	s15 =	simm.s32 $0x4400  }
0x1f: {  	[tilespmem:s15], [sflag:$0x1] =	stream.indirect.gather [hbm4b:s13+s6], $0x80, s6, s6, $0xb8;
	[tilespmem:$0x14400] =	vst v63  }
0x20: {  	s16 =	simm.s32 $0x8400  }
0x21: {  	[tilespmem:s16], [sflag:$0x1] =	stream.indirect.gather [hbm4b:s13+s6], $0x80, s8, s6, $0xb8;
	[tilespmem:$0x14400] =	vst v63  }
0x22: {  	s17 =	simm.s32 $0xC400  }
0x23: {  	[tilespmem:s17], [sflag:$0x1] =	stream.indirect.gather [hbm4b:s13+s6], $0x80, s10, s6, $0xb8;
	[tilespmem:$0x14400] =	vst v63  }
0x24: {  	s18 =	simm.s32 $0x10400;
	s19 =	simm.s32 $0x1  }
0x25: {  	[tilespmem:s18], [sflag:$0x1] =	stream.indirect.gather [hbm4b:s13+s6], $0x80, s12, s6, $0xb8;
	[tilespmem:$0x14400] =	vst v63  }
0x26: {  	_ =	swait.ge [sflag:s19], $0x4000  }
0x27: {  	[sflag:s19] =	ssyncset.done $0x0  }
0x28: {  	[sflag:s19] =	ssyncadd.s32 $0xFFFFC000  }
0x29: {  	_ =	swait.ge [sflag:s19], $0x4000  }
0x2a: {  	[sflag:s19] =	ssyncset.done $0x0  }
0x2b: {  	[sflag:s19] =	ssyncadd.s32 $0xFFFFC000  }
0x2c: {  	_ =	swait.ge [sflag:s19], $0x4000  }
0x2d: {  	[sflag:s19] =	ssyncset.done $0x0  }
0x2e: {  	s22 =	ssub.s32 $0x2, s22;
	[sflag:s19] =	ssyncadd.s32 $0xFFFFC000  }
0x2f: {  	s23 =	sshrl.u32 s22, $0x1;
	_ =	swait.ge [sflag:s19], $0x4000  }
0x30: {  	s22 =	ssub.s32 s22, s23;
	[sflag:s19] =	ssyncset.done $0x0  }
0x31: {  	s31 =	smax.u32 s22, $0x1;
	[sflag:s19] =	ssyncadd.s32 $0xFFFFC000  }
0x32: {  	s21 =	smul.u32 $0x2800, s21;
	p0 =	sne.s32 s31, $0x1;
	_ =	swait.ge [sflag:s19], $0x4000  }
.Ltmp0:
0x33: {  	[sflag:s19] =	ssyncset.done $0x0;
	(pc) =	sbr.rel @!p0 .LBB2_2-.Ltmp0, $4  }
0x34: {  	s20 =	sadd.s32 s20, s21;
	[sflag:s19] =	ssyncadd.s32 $0xFFFFC000  }
0x35: {  	[hbm4b:s20+s2] =	stream.linear.scatter [tilespmem:s14], [sflag:$0x2], $0x14000, $0x38;
	[tilespmem:$0x14400] =	vst v63  }
0x36: {  	_ =	swait.ge [sflag:s3], $0x14000  }
0x37: {  	s21 =	sadd.s32 $0xFFFFFFFF, s31;
	[sflag:s3] =	ssyncset.done $0x0  }
.LBB2_1:
0x38: {  	p0 =	sne.s32 s21, $0x1;
	s21 =	sadd.s32 $0xFFFFFFFF, s21;
	[sflag:s3] =	ssyncadd.s32 $0xFFFEC000  }
0x39: {  	[tilespmem:s2], [sflag:$0x2] =	stream.linear.gather [hbm4b:s4+s2], $0x80, $0x38;
	[tilespmem:$0x14400] =	vst v63  }
0x3a: {  	_ =	swait.ge [sflag:s3], $0x80  }
0x3b: {  	[sflag:s3] =	ssyncset.done $0x0  }
0x3c: {  	[sflag:s3] =	ssyncadd.s32 $0xFFFFFF80  }
0x3d: {  	[tilespmem:s6], [sflag:$0x2] =	stream.linear.gather [hbm4b:s5+s2], $0x80, $0x38;
	[tilespmem:$0x14400] =	vst v63  }
0x3e: {  	_ =	swait.ge [sflag:s3], $0x80  }
0x3f: {  	[sflag:s3] =	ssyncset.done $0x0  }
0x40: {  	[sflag:s3] =	ssyncadd.s32 $0xFFFFFF80  }
0x41: {  	[tilespmem:s8], [sflag:$0x2] =	stream.linear.gather [hbm4b:s7+s2], $0x80, $0x38;
	[tilespmem:$0x14400] =	vst v63  }
0x42: {  	_ =	swait.ge [sflag:s3], $0x80  }
0x43: {  	[sflag:s3] =	ssyncset.done $0x0  }
0x44: {  	[sflag:s3] =	ssyncadd.s32 $0xFFFFFF80  }
0x45: {  	[tilespmem:s10], [sflag:$0x2] =	stream.linear.gather [hbm4b:s9+s2], $0x80, $0x38;
	[tilespmem:$0x14400] =	vst v63  }
0x46: {  	_ =	swait.ge [sflag:s3], $0x80  }
0x47: {  	[sflag:s3] =	ssyncset.done $0x0  }
0x48: {  	[sflag:s3] =	ssyncadd.s32 $0xFFFFFF80  }
0x49: {  	[tilespmem:s12], [sflag:$0x2] =	stream.linear.gather [hbm4b:s11+s2], $0x80, $0x38;
	[tilespmem:$0x14400] =	vst v63  }
0x4a: {  	_ =	swait.ge [sflag:s3], $0x80  }
0x4b: {  	[sflag:s3] =	ssyncset.done $0x0  }
0x4c: {  	[sflag:s3] =	ssyncadd.s32 $0xFFFFFF80  }
0x4d: {  	[tilespmem:s14], [sflag:$0x1] =	stream.indirect.gather [hbm4b:s13+s6], $0x80, s2, s6, $0xb8;
	[tilespmem:$0x14400] =	vst v63  }
0x4e: {  	_ = 	snop  }
0x4f: {  	[tilespmem:s15], [sflag:$0x1] =	stream.indirect.gather [hbm4b:s13+s6], $0x80, s6, s6, $0xb8;
	[tilespmem:$0x14400] =	vst v63  }
0x50: {  	_ = 	snop  }
0x51: {  	[tilespmem:s16], [sflag:$0x1] =	stream.indirect.gather [hbm4b:s13+s6], $0x80, s8, s6, $0xb8;
	[tilespmem:$0x14400] =	vst v63  }
0x52: {  	_ = 	snop  }
0x53: {  	[tilespmem:s17], [sflag:$0x1] =	stream.indirect.gather [hbm4b:s13+s6], $0x80, s10, s6, $0xb8;
	[tilespmem:$0x14400] =	vst v63  }
0x54: {  	_ = 	snop  }
0x55: {  	[tilespmem:s18], [sflag:$0x1] =	stream.indirect.gather [hbm4b:s13+s6], $0x80, s12, s6, $0xb8;
	[tilespmem:$0x14400] =	vst v63  }
0x56: {  	_ =	swait.ge [sflag:s19], $0x4000  }
0x57: {  	[sflag:s19] =	ssyncset.done $0x0  }
0x58: {  	[sflag:s19] =	ssyncadd.s32 $0xFFFFC000  }
0x59: {  	_ =	swait.ge [sflag:s19], $0x4000  }
0x5a: {  	[sflag:s19] =	ssyncset.done $0x0  }
0x5b: {  	[sflag:s19] =	ssyncadd.s32 $0xFFFFC000  }
0x5c: {  	_ =	swait.ge [sflag:s19], $0x4000  }
0x5d: {  	[sflag:s19] =	ssyncset.done $0x0  }
0x5e: {  	[sflag:s19] =	ssyncadd.s32 $0xFFFFC000  }
0x5f: {  	_ =	swait.ge [sflag:s19], $0x4000  }
0x60: {  	[sflag:s19] =	ssyncset.done $0x0  }
0x61: {  	[sflag:s19] =	ssyncadd.s32 $0xFFFFC000  }
0x62: {  	_ =	swait.ge [sflag:s19], $0x4000  }
.Ltmp1:
0x63: {  	[sflag:s19] =	ssyncset.done $0x0;
	(pc) =	sbr.rel @p0 .LBB2_1-.Ltmp1, $4  }
0x64: {  	[sflag:s19] =	ssyncadd.s32 $0xFFFFC000  }
0x65: {  	[hbm4b:s20+s2] =	stream.linear.scatter [tilespmem:s14], [sflag:$0x2], $0x14000, $0x38;
	[tilespmem:$0x14400] =	vst v63  }
0x66: {  	_ =	swait.ge [sflag:s3], $0x14000  }
0x67: {  	[sflag:s3] =	ssyncset.done $0x0  }
.LBB2_2:
0x68: {  	[sflag:s3] =	ssyncadd.s32 $0xFFFEC000  }
0x69: {  	_ =	sfence.sel $0x180000  }
0x6a: {  	[bflag:$0x0] =	sbarrier.arrive $0xFFFF  }
0x6b: {  	p0 =	sne.s32 s0, $0x0;
	_ =	strace $0x9000004A  }
0x6c: {  	s0 =	sadd.s32 @!p0 $0x100000, s1;
	[bflag:$0x2] =	sbarrier.arrive $0xFFFF  }
0x6d: {  	[sflag:s0] =	ssyncadd.tile.s32 @!p0 $0x1;
	_ =	shalt  }
.Lfunc_end2:
_tile_overlayer_lowered:
.L_overlay_start_2:
0x6e: {  	(tag) =	ssettag $0x2  }
0x6f: {  	s0 =	rddreg [dreg:$0x0];
	s2 =	stileid.u32  }
0x70: {  	s1 =	rddreg [dreg:$0x1];
	p0 =	sne.s32 s2, $0x0  }
0x71: {  	s3 =	rddreg [dreg:$0x2];
	[bflag:$0x3] =	sbarrier.arrive $0xFFFF;
	s2 =	simm.s32 @!p0 $0x1C02  }
0x72: {  	[timem:s3], [sflag:s2] =	dma.local @!p0 [hbm:s0], s1  }
0x73: {  	s0 =	simm.s32 @!p0 $0x2  }
0x74: {  	_ =	swait.ge @!p0 [sflag:s0], s1  }
0x75: {  	s1 =	ssub.s32 @!p0 $0x0, s1;
	[sflag:s0] =	ssyncset.done @!p0 $0x0  }
0x76: {  	[sflag:s0] =	ssyncadd.s32 @!p0 s1  }
0x77: {  	[bflag:$0x3] =	sbarrier.arrive $0xFFFF  }
0x78: {  	_ =	shalt  }

// kernel: kernel.8.cloned.1.call-start
scs
__scs_entry_jumppad:
0x0: {  	(pc) =	sbr.rel $0x88, $3  }
0x1: {  	(tag) =	ssettag $0x0;
	lr =	simm.s32 $0x1  }
0x2: {  	[smem:$0x3F61] =	sst lr;
	_ =	strace $0xD0000000  }
0x3: {  	_ = 	snop  }
0x4: {  	_ = 	snop  }
0x5: {  	_ = 	snop  }
0x6: {  	_ = 	snop  }
0x7: {  	_ = 	snop  }
__scs_overlays_trampoline_lowered:
0x8: {  	[smem:$0x3F70] =	sst s0  }
0x9: {  	[smem:$0x3F71] =	sst s1  }
0xa: {  	[smem:$0x3F72] =	sst s2  }
0xb: {  	[smem:$0x3F73] =	sst s3  }
0xc: {  	[smem:$0x3F74] =	sst s4  }
0xd: {  	[smem:$0x3F75] =	sst s5  }
0xe: {  	[smem:$0x3F76] =	sst s6  }
0xf: {  	[smem:$0x3F77] =	sst s7  }
0x10: {  	[smem:$0x3F78] =	sst s8  }
0x11: {  	[smem:$0x3F79] =	sst s9;
	s0 =	simm.s32 @!p0 $0x0  }
0x12: {  	s1 =	sld [smem:$0x3F5F];
	s0 =	simm.s32 @p0 $0x1  }
0x13: {  	[smem:$0x3F7A] =	sst s0;
	s0 =	simm.s32 @!p1 $0x0  }
0x14: {  	s2 =	sld [smem:$0x3F5E];
	s0 =	simm.s32 @p1 $0x1  }
0x15: {  	[smem:$0x3F7B] =	sst s0;
	s0 =	simm.s32 @!p2 $0x0  }
0x16: {  	s3 =	sld [smem:$0x3FDB];
	s0 =	simm.s32 @p2 $0x1  }
0x17: {  	s4 =	simm.s32 $0x1BF5;
	[smem:$0x3F7D] =	sst s0  }
0x18: {  	s0 =	sld [smem:$0x3F60];
	_ =	swait.ge [sflag:s4], $0x0  }
0x19: {  	s7 =	sld [smem:$0x3F61]  }
0x1a: {  	s8 =	sadd.s32 $0xFFFFE003, lr  }
0x1b: {  	s9 =	sadd.s32 $0xFFFFFEF7, lr;
	s5 =	simm.s32 $0xFFFFFFFF;
	p2 =	slt.u32 s8, $0xFFFFF086  }
0x1c: {  	p1 =	slt.u32 s9, $0xF7A;
	s5 =	simm.s32 @!p2 $0x0  }
0x1d: {  	s5 =	simm.s32 @p1 $0x1;
	p0 =	seq.s32 s7, s2  }
0x1e: {  	s7 =	smul.u32 @!p0 $0xF7A, s2;
	p2 =	seq.s32 @!p0 s5, $0x0  }
0x1f: {  	s9 =	smul.u32 $0xF7A, s1;
	s8 =	simm.s32 @!p0 $0x1BF5;
	p2 =	por !p2, p0  }
0x20: {  	[sflag:s8] =	ssyncset.s32 @!p0 $0xFFFFF086;
	s6 =	sadd.s32 @!p0 s3, s7;
	s7 =	simm.s32 @!p0 $0x108  }
0x21: {  	s3 =	sadd.s32 s3, s9;
	s6 =	sadd.s32 @!p0 $0x88, s6;
	s7 =	simm.s32 @p2 $0x1082  }
0x22: {  	[simem:s7], [sflag:s8] =	dma.local @!p0 [hbm:s6], $0xF7A  }
0x23: {  	s9 =	sor.u32 $0xD0000000, s2;
	s6 =	simm.s32 $0x108;
	_ =	swait.ge @!p0 [sflag:s8], $0x0  }
0x24: {  	s3 =	sadd.s32 $0x88, s3;
	s6 =	simm.s32 @!p1 $0x1082;
	[sflag:s4] =	ssyncset.s32 $0xFFFFF086  }
0x25: {  	[simem:s6], [sflag:s4] =	dma.local [hbm:s3], $0xF7A  }
0x26: {  	[smem:$0x3F61] =	sst s1;
	(tag) =	ssettag s2;
	_ =	strace s9  }
0x27: {  	s1 =	sld [smem:$0x3F71]  }
0x28: {  	s2 =	sld [smem:$0x3F72]  }
0x29: {  	s4 =	sld [smem:$0x3F74]  }
0x2a: {  	p0 =	seq.s32 s5, $0x0;
	s5 =	sld [smem:$0x3F75]  }
0x2b: {  	s6 =	sld [smem:$0x3F76]  }
0x2c: {  	s7 =	sld [smem:$0x3F77]  }
0x2d: {  	s3 =	simm.s32 $0x108;
	s8 =	sld [smem:$0x3F78]  }
0x2e: {  	s3 =	simm.s32 @!p0 $0x1082;
	s9 =	sld [smem:$0x3F79]  }
0x2f: {  	lr =	sadd.s32 s0, s3;
	s0 =	sld [smem:$0x3F70]  }
0x30: {  	s3 =	sld [smem:$0x3F73]  }
0x31: {  	[smem:$0x3F7C] =	sst s10  }
0x32: {  	s10 =	sld [smem:$0x3F7A];
	_ =	sdelay $0x3  }
0x33: {  	p0 =	seq.s32 s10, $0x1;
	s10 =	sld [smem:$0x3F7C];
	_ =	sdelay $0x3  }
0x34: {  	[smem:$0x3F7C] =	sst s10  }
0x35: {  	s10 =	sld [smem:$0x3F7B];
	_ =	sdelay $0x3  }
0x36: {  	p1 =	seq.s32 s10, $0x1;
	s10 =	sld [smem:$0x3F7C];
	_ =	sdelay $0x3  }
0x37: {  	[smem:$0x3F7C] =	sst s10  }
0x38: {  	s10 =	sld [smem:$0x3F7D]  }
0x39: {  	_ = 	snop;
	(pc) =	sbr.ind lr, $3  }
0x3a: {  	_ = 	snop  }
0x3b: {  	_ = 	snop  }
0x3c: {  	p2 =	seq.s32 s10, $0x1;
	s10 =	sld [smem:$0x3F7C]  }
0x3d: {  	_ =	shalt  }
0x3e: {  	_ =	shalt  }
0x3f: {  	_ =	shalt  }
0x40: {  	_ =	shalt  }
0x41: {  	_ =	shalt  }
0x42: {  	_ =	shalt  }
0x43: {  	_ =	shalt  }
0x44: {  	_ =	shalt  }
0x45: {  	_ =	shalt  }
0x46: {  	_ =	shalt  }
0x47: {  	_ =	shalt  }
0x48: {  	_ =	shalt  }
0x49: {  	_ =	shalt  }
0x4a: {  	_ =	shalt  }
0x4b: {  	_ =	shalt  }
0x4c: {  	_ =	shalt  }
0x4d: {  	_ =	shalt  }
0x4e: {  	_ =	shalt  }
0x4f: {  	_ =	shalt  }
0x50: {  	_ =	shalt  }
0x51: {  	_ =	shalt  }
0x52: {  	_ =	shalt  }
0x53: {  	_ =	shalt  }
0x54: {  	_ =	shalt  }
0x55: {  	_ =	shalt  }
0x56: {  	_ =	shalt  }
0x57: {  	_ =	shalt  }
0x58: {  	_ =	shalt  }
0x59: {  	_ =	shalt  }
0x5a: {  	_ =	shalt  }
0x5b: {  	_ =	shalt  }
0x5c: {  	_ =	shalt  }
0x5d: {  	_ =	shalt  }
0x5e: {  	_ =	shalt  }
0x5f: {  	_ =	shalt  }
0x60: {  	_ =	shalt  }
0x61: {  	_ =	shalt  }
0x62: {  	_ =	shalt  }
0x63: {  	_ =	shalt  }
0x64: {  	_ =	shalt  }
0x65: {  	_ =	shalt  }
0x66: {  	_ =	shalt  }
0x67: {  	_ =	shalt  }
0x68: {  	_ =	shalt  }
0x69: {  	_ =	shalt  }
0x6a: {  	_ =	shalt  }
0x6b: {  	_ =	shalt  }
0x6c: {  	_ =	shalt  }
0x6d: {  	_ =	shalt  }
0x6e: {  	_ =	shalt  }
0x6f: {  	_ =	shalt  }
0x70: {  	_ =	shalt  }
0x71: {  	_ =	shalt  }
0x72: {  	_ =	shalt  }
0x73: {  	_ =	shalt  }
0x74: {  	_ =	shalt  }
0x75: {  	_ =	shalt  }
0x76: {  	_ =	shalt  }
0x77: {  	_ =	shalt  }
0x78: {  	_ =	shalt  }
0x79: {  	_ =	shalt  }
0x7a: {  	_ =	shalt  }
0x7b: {  	_ =	shalt  }
0x7c: {  	_ =	shalt  }
0x7d: {  	_ =	shalt  }
0x7e: {  	_ =	shalt  }
0x7f: {  	_ =	shalt  }
0x80: {  	_ =	shalt  }
0x81: {  	_ =	shalt  }
0x82: {  	_ =	shalt  }
0x83: {  	_ =	shalt  }
0x84: {  	_ =	shalt  }
0x85: {  	_ =	shalt  }
0x86: {  	_ =	shalt  }
0x87: {  	_ =	shalt  }
.Lfunc_end0:
.L_simem_size_0:
called_computation.2_lowered:
.L_overlay_start_0:
0x88: {  	s2 =	sld [smem:$0x3FD9]  }
0x89: {  	s3 =	sld [smem:$0x3FFE];
	_ =	sdelay $0x1  }
0x8a: {  	s1 =	srdreg.scid  }
0x8b: {  	s0 =	sand.u32 $0x1, s1  }
0x8c: {  	s16 =	sshll.u32 s0, $0xA;
	s2 =	sadd.s32 s3, s2  }
0x8d: {  	s2 =	sadd.s32 s2, s16  }
0x8e: {  	[smem:$0x3F88] =	sst s2  }
0x8f: {  	_ = 	snop  }
0x90: {  	(tm) =	ssettm $0x1  }
0x91: {  	s17 =	sld [smem:$0x3FFB];
	_ =	sdelay $0x3  }
0x92: {  	_ =	strace s17  }
0x93: {  	s2 =	sld [smem:$0x3FFC];
	_ =	sdelay $0x3  }
0x94: {  	_ =	strace s2  }
0x95: {  	s2 =	sld [smem:$0x3FFD];
	_ =	sdelay $0x3  }
0x96: {  	_ =	strace s2  }
0x97: {  	_ =	strace $0x8FFFFFFF  }
0x98: {  	s18 =	sld [smem:$0x3FDB];
	_ =	sdelay $0x1  }
0x99: {  	s19 =	simm.s32 $_scs_section_size  }
0x9a: {  	s4 =	simm.s32 $_size__tile_overlayer_lowered;
	s5 =	simm.s32 $_tile_overlayer_lowered  }
0x9b: {  	s22 =	simm.s32 $0x1BFF;
	s21 =	sshll.u32 s5, $0x1;
	s2 =	sadd.s32 s19, s18  }
0x9c: {  	s6 =	simm.s32 $0x0;
	s20 =	sshll.u32 s4, $0x1;
	s4 =	sadd.s32 s21, s2  }
0x9d: {  	[timem:s6], [sflag:s22] =	dma.local [hbm:s4], s20  }
0x9e: {  	_ =	swait.ge [sflag:s22], s20  }
0x9f: {  	s3 =	ssub.s32 $0x0, s20;
	[sflag:s22] =	ssyncset.done $0x0  }
0xa0: {  	[sflag:s22] =	ssyncadd.s32 s3;
	_ =	sdelay $0x1  }
0xa1: {  	s23 =	simm.s32 $0x1B8B  }
0xa2: {  	_ =	swait.ge [sflag:s23], $0x1  }
0xa3: {  	[sflag:s23] =	ssyncset.done $0x0  }
0xa4: {  	s25 =	simm.s32 $0x1B8E;
	s24 =	sld [smem:$0x3FFE];
	[sflag:s23] =	ssyncadd.s32 $0xFFFFFFFF  }
0xa5: {  	s26 =	simm.s32 $execute0_lowered;
	[smem:$0x3FD2] =	sst s25  }
0xa6: {  	s4 =	sshll.u32 s26, $0x1;
	_ =	strace $0x8000004C;
	[dreg:$0x1] =	wrdreg $0xFFFFFFFF  }
0xa7: {  	s28 =	simm.s32 $_size_execute0_lowered;
	s2 =	sadd.s32 s2, s4;
	[dreg:$0x0] =	wrdreg $0x0  }
0xa8: {  	s4 =	sshll.u32 s28, $0x1;
	[dreg:$0x2] =	wrdreg s2  }
0xa9: {  	[dreg:$0x3] =	wrdreg s4  }
0xaa: {  	[dreg:$0x4] =	wrdreg $0xC0  }
0xab: {  	_ =	task [dreg:s6], $0x5FFFF  }
0xac: {  	[dreg:$0x1] =	wrdreg $0xFFFFFFFF  }
0xad: {  	[dreg:$0x0] =	wrdreg $0x60  }
0xae: {  	[dreg:$0x2] =	wrdreg s24  }
0xaf: {  	[dreg:$0x3] =	wrdreg $0x9  }
0xb0: {  	_ =	task.clear_ibuf [dreg:s6], $0x4FFFF;
	_ =	strace $0x9000004C  }
0xb1: {  	s29 =	simm.s32 $0x9;
	_ =	strace $0x8000004E  }
0xb2: {  	_ =	swait.ge [sflag:s29], $0x1  }
0xb3: {  	[sflag:s29] =	ssyncadd.s32 $0xFFFFFFFF  }
0xb4: {  	_ =	strace $0x9000004E  }
0xb5: {  	_ =	sfence  }
0xb6: {  	s30 =	sld [smem:$0x0];
	_ =	sdelay $0x2  }
0xb7: {  	s31 =	sshll.u32 s1, $0xD;
	s1 =	sshrl.u32 s1, $0x2  }
0xb8: {  	s3 =	sand.u32 $0x4000, s31;
	s1 =	sadd.s32 s1, s30  }
0xb9: {  	s0 =	sor.u32 s3, s0;
	s1 =	sshll.u32 s1, $0x11  }
0xba: {  	s0 =	sor.u32 s1, s0  }
0xbb: {  	s0 =	sadd.s32 $0x8F2B, s0  }
0xbc: {  	[sflag:s0] =	ssyncadd.remote.s32 $0x1  }
0xbd: {  	_ =	sfence.sel $0xFFFF  }
0xbe: {  	[dreg:$0x0] =	wrdreg $0xFFFFFFFF;
	(pc) =	sbr.abs _section_cstart, $3  }
0xbf: {  	[dreg:$0x1] =	wrdreg $0xFFFFFFFF  }
0xc0: {  	_ =	task.clear_ibuf [dreg:s6], $0x2FFFF;
	_ =	strace $0x9FFFFFFF  }
0xc1: {  	(tm) =	ssettm $0x7FFFFFFF  }
tec
execute0_lowered:
.L_overlay_start_1:
0x0: {  	(tag) =	ssettag $0x1  }
0x1: {  	s0 =	srdreg.scid  }
0x2: {  	s2 =	stileid.u32;
	s1 =	rddreg [dreg:$0x0]  }
0x3: {  	s24 =	simm.s32 $0x80;
	s25 =	simm.s32 $0x100;
	s30 =	simm.s32 $0x180  }
0x4: {  	s31 =	simm.s32 $0x200;
	s29 =	simm.s32 $0x1;
	s28 =	simm.s32 $0xC400  }
0x5: {  	s12 =	simm.s32 $0xF400;
	s3 =	sshll.u32 s2, $0x1;
	s2 =	simm.s32 $0x0  }
0x6: {  	s0 =	sand.u32 $0x1, s0;
	s5 =	sadd.s32 $0x4000, s1;
	[smem:$0x7FF] =	sst s2  }
0x7: {  	s3 =	sor.u32 s0, s3;
	_ =	strace $0x8000004D;
	[dreg:$0xc] =	wrdreg s24  }
0x8: {  	s11 =	sadd.s32 $0x4A00, s1;
	s4 =	smul.u32 $0x280, s3;
	[dreg:$0xd] =	wrdreg s25  }
0x9: {  	s0 =	ssub.s32 $0x2, s0;
	s3 =	smul.u32 $0x5000, s3;
	[dreg:$0xe] =	wrdreg s30  }
0xa: {  	s26 =	sshrl.u32 s0, $0x1;
	[dreg:$0xf] =	wrdreg s31;
	s24 =	simm.s32 $0xAC00  }
0xb: {  	s25 =	simm.s32 $0xB400;
	s0 =	ssub.s32 s0, s26;
	s26 =	simm.s32 $0xBC00  }
0xc: {  	s6 =	sshrl.u32 s4, $0x3;
	s7 =	sadd.s32 $0x80, s4;
	s9 =	sadd.s32 $0x100, s4  }
0xd: {  	s16 =	sadd.s32 $0x180, s4;
	s4 =	sadd.s32 $0x200, s4;
	s3 =	sadd.s32 s11, s3  }
0xe: {  	s6 =	sadd.s32 s5, s6;
	s8 =	sshrl.u32 s7, $0x3;
	s14 =	sshrl.u32 s9, $0x3  }
0xf: {  	s17 =	sshrl.u32 s16, $0x3;
	s10 =	sshrl.u32 s4, $0x3;
	s18 =	sshll.u32 s7, $0x5  }
0x10: {  	[dreg:$0x7] =	wrdreg s3;
	s20 =	sshll.u32 s9, $0x5;
	s22 =	sshll.u32 s16, $0x5  }
0x11: {  	s4 =	sshll.u32 s4, $0x5;
	s3 =	sadd.s32 $0xA4A00, s1;
	s16 =	simm.s32 $0x4C00  }
0x12: {  	s1 =	simm.s32 $0x9400;
	s7 =	simm.s32 $0xCC00;
	s9 =	simm.s32 $0xDC00  }
0x13: {  	[dreg:$0x2] =	wrdreg s6;
	s13 =	sadd.s32 s5, s8;
	s15 =	sadd.s32 s5, s14  }
0x14: {  	s6 =	sadd.s32 s5, s17;
	s5 =	sadd.s32 s5, s10;
	[dreg:$0x3] =	wrdreg s13  }
0x15: {  	s19 =	sadd.s32 s11, s18;
	s21 =	sadd.s32 s11, s20;
	[dreg:$0x4] =	wrdreg s15  }
0x16: {  	s23 =	sadd.s32 s11, s22;
	s4 =	sadd.s32 s11, s4;
	[dreg:$0x5] =	wrdreg s6  }
0x17: {  	s14 =	simm.s32 $0x400;
	s17 =	simm.s32 $0x5400;
	[dreg:$0x6] =	wrdreg s5  }
0x18: {  	s18 =	simm.s32 $0x5C00;
	s20 =	simm.s32 $0x6C00;
	[dreg:$0x8] =	wrdreg s19  }
0x19: {  	s22 =	simm.s32 $0x7C00;
	s8 =	simm.s32 $0xD400;
	[dreg:$0x9] =	wrdreg s21  }
0x1a: {  	s10 =	simm.s32 $0xE400;
	s11 =	simm.s32 $0xEC00;
	[dreg:$0xa] =	wrdreg s23  }
0x1b: {  	v2 =	vlaneseq.u32;
	[dreg:$0xb] =	wrdreg s4;
	s4 =	smax.u32 s0, $0x1;
	s5 =	simm.s32 $0x2  }
0x1c: {  	vm0 =	vmmov $0xffff;
	v1 =	vshrl.u32 v2, $0x3;
	s15 =	simm.s32 $0x4400;
	s19 =	simm.s32 $0x6400;
	s21 =	simm.s32 $0x7400  }
0x1d: {  	v0 =	vand.u32 $0x7, v2;
	v2 =	vor.u32 $0x8, v2;
	v1 =	vmul.u32 $0x8, v1;
	s6 =	simm.s32 $0x8400;
	s23 =	simm.s32 $0xA400;
	s13 =	simm.s32 $0xFC00  }
.LBB2_1:
0x1e: {  	s30 =	rddreg [dreg:$0x2]  }
0x1f: {  	[tilespmem:s2], [sflag:$0x2] =	stream.linear.gather [hbm4b:s30+s2], $0x80, $0x38;
	[tilespmem:$0x10400] =	vst v63  }
0x20: {  	_ =	swait.ge [sflag:s5], $0x80  }
0x21: {  	s0 =	rddreg [dreg:$0x3];
	[sflag:s5] =	ssyncset.done $0x0  }
0x22: {  	s31 =	rddreg [dreg:$0xc];
	[sflag:s5] =	ssyncadd.s32 $0xFFFFFF80  }
0x23: {  	[tilespmem:s31], [sflag:$0x2] =	stream.linear.gather [hbm4b:s0+s2], $0x80, $0x38;
	[tilespmem:$0x10400] =	vst v63  }
0x24: {  	_ =	swait.ge [sflag:s5], $0x80  }
0x25: {  	s30 =	rddreg [dreg:$0x4];
	[sflag:s5] =	ssyncset.done $0x0  }
0x26: {  	s0 =	rddreg [dreg:$0xd];
	[sflag:s5] =	ssyncadd.s32 $0xFFFFFF80  }
0x27: {  	[tilespmem:s0], [sflag:$0x2] =	stream.linear.gather [hbm4b:s30+s2], $0x80, $0x38;
	[tilespmem:$0x10400] =	vst v63  }
0x28: {  	_ =	swait.ge [sflag:s5], $0x80  }
0x29: {  	s30 =	rddreg [dreg:$0x5];
	[sflag:s5] =	ssyncset.done $0x0  }
0x2a: {  	s0 =	rddreg [dreg:$0xe];
	[sflag:s5] =	ssyncadd.s32 $0xFFFFFF80  }
0x2b: {  	[tilespmem:s0], [sflag:$0x2] =	stream.linear.gather [hbm4b:s30+s2], $0x80, $0x38;
	[tilespmem:$0x10400] =	vst v63  }
0x2c: {  	_ =	swait.ge [sflag:s5], $0x80  }
0x2d: {  	s30 =	rddreg [dreg:$0x6];
	[sflag:s5] =	ssyncset.done $0x0  }
0x2e: {  	s0 =	rddreg [dreg:$0xf];
	[sflag:s5] =	ssyncadd.s32 $0xFFFFFF80  }
0x2f: {  	[tilespmem:s0], [sflag:$0x2] =	stream.linear.gather [hbm4b:s30+s2], $0x80, $0x38;
	[tilespmem:$0x10400] =	vst v63  }
0x30: {  	_ =	swait.ge [sflag:s5], $0x80  }
0x31: {  	[sflag:s5] =	ssyncset.done $0x0  }
0x32: {  	s0 =	rddreg [dreg:$0x7];
	[sflag:s5] =	ssyncadd.s32 $0xFFFFFF80  }
0x33: {  	[tilespmem:s14], [sflag:$0x2] =	stream.linear.gather [hbm4b:s0+s2], $0x8000, $0x38;
	[tilespmem:$0x10400] =	vst v63  }
0x34: {  	_ =	swait.ge [sflag:s5], $0x8000  }
0x35: {  	[sflag:s5] =	ssyncset.done $0x0  }
0x36: {  	[sflag:s5] =	ssyncadd.s32 $0xFFFF8000  }
0x37: {  	v3 =	vld [tilespmem:$0x0];
	_ =	sdelay $0x4  }
0x38: {  	v4 =	vshll.u32 v3, $0x1  }
0x39: {  	v3 =	vand.u32 $0x7, v3;
	v4 =	vand.u32 $0xFFFFFFF0, v4  }
0x3a: {  	v3 =	vor.u32 v3, v4  }
0x3b: {  	v4 =	vperm.xlane v3, v0;
	_ =	sdelay $0x1  }
0x3c: {  	v3 =	vperm.xlane v3, v2;
	v4 =	vadd.s32 v1, v4;
	_ =	sdelay $0x1  }
0x3d: {  	v3 =	vadd.s32 v1, v3;
	_ =	sdelay $0x2  }
0x3e: {  	[hbm4b:s3+s2] =	stream.indirect_vreg.scatter [tilespmem:s14], [sflag:$0x1], $0x80, v4, vm0, $0xb8;
	[tilespmem:$0x10400] =	vst v63  }
0x3f: {  	s0 =	simm.s32 $0xC00  }
0x40: {  	[hbm4b:s3+s2] =	stream.indirect_vreg.scatter [tilespmem:s0], [sflag:$0x1], $0x80, v3, vm0, $0xb8;
	[tilespmem:$0x10400] =	vst v63  }
0x41: {  	v3 =	vld [tilespmem:$0x10];
	_ =	sdelay $0x4  }
0x42: {  	v25 =	vshll.u32 v3, $0x1  }
0x43: {  	v3 =	vand.u32 $0x7, v3;
	v4 =	vand.u32 $0xFFFFFFF0, v25  }
0x44: {  	v3 =	vor.u32 v3, v4  }
0x45: {  	v4 =	vperm.xlane v3, v0;
	_ =	sdelay $0x1  }
0x46: {  	v3 =	vperm.xlane v3, v2;
	v4 =	vadd.s32 v1, v4;
	_ =	sdelay $0x1  }
0x47: {  	v3 =	vadd.s32 v1, v3;
	_ =	sdelay $0x1  }
0x48: {  	s31 =	simm.s32 $0x1400  }
0x49: {  	[hbm4b:s3+s2] =	stream.indirect_vreg.scatter [tilespmem:s31], [sflag:$0x1], $0x80, v4, vm0, $0xb8;
	[tilespmem:$0x10400] =	vst v63  }
0x4a: {  	s30 =	simm.s32 $0x1C00  }
0x4b: {  	[hbm4b:s3+s2] =	stream.indirect_vreg.scatter [tilespmem:s30], [sflag:$0x1], $0x80, v3, vm0, $0xb8;
	[tilespmem:$0x10400] =	vst v63  }
0x4c: {  	v3 =	vld [tilespmem:$0x20];
	_ =	sdelay $0x4  }
0x4d: {  	v26 =	vshll.u32 v3, $0x1  }
0x4e: {  	v3 =	vand.u32 $0x7, v3;
	v4 =	vand.u32 $0xFFFFFFF0, v26  }
0x4f: {  	v3 =	vor.u32 v3, v4  }
0x50: {  	v4 =	vperm.xlane v3, v0;
	_ =	sdelay $0x1  }
0x51: {  	v3 =	vperm.xlane v3, v2;
	v4 =	vadd.s32 v1, v4;
	_ =	sdelay $0x1  }
0x52: {  	v3 =	vadd.s32 v1, v3;
	_ =	sdelay $0x1  }
0x53: {  	s31 =	simm.s32 $0x2400  }
0x54: {  	[hbm4b:s3+s2] =	stream.indirect_vreg.scatter [tilespmem:s31], [sflag:$0x1], $0x80, v4, vm0, $0xb8;
	[tilespmem:$0x10400] =	vst v63  }
0x55: {  	s30 =	simm.s32 $0x2C00  }
0x56: {  	[hbm4b:s3+s2] =	stream.indirect_vreg.scatter [tilespmem:s30], [sflag:$0x1], $0x80, v3, vm0, $0xb8;
	[tilespmem:$0x10400] =	vst v63  }
0x57: {  	v3 =	vld [tilespmem:$0x30];
	_ =	sdelay $0x4  }
0x58: {  	v27 =	vshll.u32 v3, $0x1  }
0x59: {  	v3 =	vand.u32 $0x7, v3;
	v4 =	vand.u32 $0xFFFFFFF0, v27  }
0x5a: {  	v3 =	vor.u32 v3, v4  }
0x5b: {  	v4 =	vperm.xlane v3, v0;
	_ =	sdelay $0x1  }
0x5c: {  	v3 =	vperm.xlane v3, v2;
	v4 =	vadd.s32 v1, v4;
	_ =	sdelay $0x1  }
0x5d: {  	v3 =	vadd.s32 v1, v3;
	_ =	sdelay $0x1  }
0x5e: {  	s31 =	simm.s32 $0x3400  }
0x5f: {  	[hbm4b:s3+s2] =	stream.indirect_vreg.scatter [tilespmem:s31], [sflag:$0x1], $0x80, v4, vm0, $0xb8;
	[tilespmem:$0x10400] =	vst v63  }
0x60: {  	s30 =	simm.s32 $0x3C00  }
0x61: {  	[hbm4b:s3+s2] =	stream.indirect_vreg.scatter [tilespmem:s30], [sflag:$0x1], $0x80, v3, vm0, $0xb8;
	[tilespmem:$0x10400] =	vst v63  }
0x62: {  	v3 =	vld [tilespmem:$0x40];
	_ =	sdelay $0x4  }
0x63: {  	v28 =	vshll.u32 v3, $0x1  }
0x64: {  	v3 =	vand.u32 $0x7, v3;
	v4 =	vand.u32 $0xFFFFFFF0, v28  }
0x65: {  	v3 =	vor.u32 v3, v4  }
0x66: {  	v4 =	vperm.xlane v3, v0;
	_ =	sdelay $0x1  }
0x67: {  	v3 =	vperm.xlane v3, v2;
	v4 =	vadd.s32 v1, v4;
	_ =	sdelay $0x1  }
0x68: {  	v3 =	vadd.s32 v1, v3;
	_ =	sdelay $0x2  }
0x69: {  	[hbm4b:s3+s2] =	stream.indirect_vreg.scatter [tilespmem:s15], [sflag:$0x1], $0x80, v4, vm0, $0xb8;
	[tilespmem:$0x10400] =	vst v63  }
0x6a: {  	_ = 	snop  }
0x6b: {  	[hbm4b:s3+s2] =	stream.indirect_vreg.scatter [tilespmem:s16], [sflag:$0x1], $0x80, v3, vm0, $0xb8;
	[tilespmem:$0x10400] =	vst v63  }
0x6c: {  	v3 =	vld [tilespmem:$0x50];
	_ =	sdelay $0x4  }
0x6d: {  	v29 =	vshll.u32 v3, $0x1  }
0x6e: {  	v3 =	vand.u32 $0x7, v3;
	v4 =	vand.u32 $0xFFFFFFF0, v29  }
0x6f: {  	v3 =	vor.u32 v3, v4  }
0x70: {  	v4 =	vperm.xlane v3, v0;
	_ =	sdelay $0x1  }
0x71: {  	v3 =	vperm.xlane v3, v2;
	v4 =	vadd.s32 v1, v4;
	_ =	sdelay $0x1  }
0x72: {  	v3 =	vadd.s32 v1, v3;
	_ =	sdelay $0x2  }
0x73: {  	[hbm4b:s3+s2] =	stream.indirect_vreg.scatter [tilespmem:s17], [sflag:$0x1], $0x80, v4, vm0, $0xb8;
	[tilespmem:$0x10400] =	vst v63  }
0x74: {  	_ = 	snop  }
0x75: {  	[hbm4b:s3+s2] =	stream.indirect_vreg.scatter [tilespmem:s18], [sflag:$0x1], $0x80, v3, vm0, $0xb8;
	[tilespmem:$0x10400] =	vst v63  }
0x76: {  	v3 =	vld [tilespmem:$0x60];
	_ =	sdelay $0x4  }
0x77: {  	v30 =	vshll.u32 v3, $0x1  }
0x78: {  	v3 =	vand.u32 $0x7, v3;
	v4 =	vand.u32 $0xFFFFFFF0, v30  }
0x79: {  	v3 =	vor.u32 v3, v4  }
0x7a: {  	v4 =	vperm.xlane v3, v0;
	_ =	sdelay $0x1  }
0x7b: {  	v3 =	vperm.xlane v3, v2;
	v4 =	vadd.s32 v1, v4;
	_ =	sdelay $0x1  }
0x7c: {  	v3 =	vadd.s32 v1, v3;
	_ =	sdelay $0x2  }
0x7d: {  	[hbm4b:s3+s2] =	stream.indirect_vreg.scatter [tilespmem:s19], [sflag:$0x1], $0x80, v4, vm0, $0xb8;
	[tilespmem:$0x10400] =	vst v63  }
0x7e: {  	_ = 	snop  }
0x7f: {  	[hbm4b:s3+s2] =	stream.indirect_vreg.scatter [tilespmem:s20], [sflag:$0x1], $0x80, v3, vm0, $0xb8;
	[tilespmem:$0x10400] =	vst v63  }
0x80: {  	v3 =	vld [tilespmem:$0x70];
	_ =	sdelay $0x4  }
0x81: {  	v31 =	vshll.u32 v3, $0x1  }
0x82: {  	v3 =	vand.u32 $0x7, v3;
	v4 =	vand.u32 $0xFFFFFFF0, v31  }
0x83: {  	v3 =	vor.u32 v3, v4  }
0x84: {  	v4 =	vperm.xlane v3, v0;
	_ =	sdelay $0x1  }
0x85: {  	v3 =	vperm.xlane v3, v2;
	v4 =	vadd.s32 v1, v4;
	_ =	sdelay $0x1  }
0x86: {  	v3 =	vadd.s32 v1, v3;
	_ =	sdelay $0x2  }
0x87: {  	[hbm4b:s3+s2] =	stream.indirect_vreg.scatter [tilespmem:s21], [sflag:$0x1], $0x80, v4, vm0, $0xb8;
	[tilespmem:$0x10400] =	vst v63  }
0x88: {  	_ = 	snop  }
0x89: {  	[hbm4b:s3+s2] =	stream.indirect_vreg.scatter [tilespmem:s22], [sflag:$0x1], $0x80, v3, vm0, $0xb8;
	[tilespmem:$0x10400] =	vst v63  }
0x8a: {  	s31 =	rddreg [dreg:$0x8]  }
0x8b: {  	[tilespmem:s6], [sflag:$0x2] =	stream.linear.gather [hbm4b:s31+s2], $0x8000, $0x38;
	[tilespmem:$0x10400] =	vst v63  }
0x8c: {  	_ =	swait.ge [sflag:s5], $0x8000  }
0x8d: {  	[sflag:s5] =	ssyncset.done $0x0  }
0x8e: {  	[sflag:s5] =	ssyncadd.s32 $0xFFFF8000  }
0x8f: {  	v3 =	vld [tilespmem:$0x80];
	_ =	sdelay $0x4  }
0x90: {  	v32 =	vshll.u32 v3, $0x1  }
0x91: {  	v3 =	vand.u32 $0x7, v3;
	v4 =	vand.u32 $0xFFFFFFF0, v32  }
0x92: {  	v3 =	vor.u32 v3, v4  }
0x93: {  	v4 =	vperm.xlane v3, v0;
	_ =	sdelay $0x1  }
0x94: {  	v3 =	vperm.xlane v3, v2;
	v4 =	vadd.s32 v1, v4;
	_ =	sdelay $0x1  }
0x95: {  	v3 =	vadd.s32 v1, v3;
	_ =	sdelay $0x2  }
0x96: {  	[hbm4b:s3+s2] =	stream.indirect_vreg.scatter [tilespmem:s6], [sflag:$0x1], $0x80, v4, vm0, $0xb8;
	[tilespmem:$0x10400] =	vst v63  }
0x97: {  	s31 =	simm.s32 $0x8C00  }
0x98: {  	[hbm4b:s3+s2] =	stream.indirect_vreg.scatter [tilespmem:s31], [sflag:$0x1], $0x80, v3, vm0, $0xb8;
	[tilespmem:$0x10400] =	vst v63  }
0x99: {  	v3 =	vld [tilespmem:$0x90];
	_ =	sdelay $0x4  }
0x9a: {  	v33 =	vshll.u32 v3, $0x1  }
0x9b: {  	v3 =	vand.u32 $0x7, v3;
	v4 =	vand.u32 $0xFFFFFFF0, v33  }
0x9c: {  	v3 =	vor.u32 v3, v4  }
0x9d: {  	v4 =	vperm.xlane v3, v0;
	_ =	sdelay $0x1  }
0x9e: {  	v3 =	vperm.xlane v3, v2;
	v4 =	vadd.s32 v1, v4;
	_ =	sdelay $0x1  }
0x9f: {  	v3 =	vadd.s32 v1, v3;
	_ =	sdelay $0x2  }
0xa0: {  	[hbm4b:s3+s2] =	stream.indirect_vreg.scatter [tilespmem:s1], [sflag:$0x1], $0x80, v4, vm0, $0xb8;
	[tilespmem:$0x10400] =	vst v63  }
0xa1: {  	s0 =	simm.s32 $0x9C00  }
0xa2: {  	[hbm4b:s3+s2] =	stream.indirect_vreg.scatter [tilespmem:s0], [sflag:$0x1], $0x80, v3, vm0, $0xb8;
	[tilespmem:$0x10400] =	vst v63  }
0xa3: {  	v3 =	vld [tilespmem:$0xA0];
	_ =	sdelay $0x4  }
0xa4: {  	v34 =	vshll.u32 v3, $0x1  }
0xa5: {  	v3 =	vand.u32 $0x7, v3;
	v4 =	vand.u32 $0xFFFFFFF0, v34  }
0xa6: {  	v3 =	vor.u32 v3, v4  }
0xa7: {  	v4 =	vperm.xlane v3, v0;
	_ =	sdelay $0x1  }
0xa8: {  	v3 =	vperm.xlane v3, v2;
	v4 =	vadd.s32 v1, v4;
	_ =	sdelay $0x1  }
0xa9: {  	v3 =	vadd.s32 v1, v3;
	_ =	sdelay $0x2  }
0xaa: {  	[hbm4b:s3+s2] =	stream.indirect_vreg.scatter [tilespmem:s23], [sflag:$0x1], $0x80, v4, vm0, $0xb8;
	[tilespmem:$0x10400] =	vst v63  }
0xab: {  	_ = 	snop  }
0xac: {  	[hbm4b:s3+s2] =	stream.indirect_vreg.scatter [tilespmem:s24], [sflag:$0x1], $0x80, v3, vm0, $0xb8;
	[tilespmem:$0x10400] =	vst v63  }
0xad: {  	v3 =	vld [tilespmem:$0xB0];
	_ =	sdelay $0x4  }
0xae: {  	v35 =	vshll.u32 v3, $0x1  }
0xaf: {  	v3 =	vand.u32 $0x7, v3;
	v4 =	vand.u32 $0xFFFFFFF0, v35  }
0xb0: {  	v3 =	vor.u32 v3, v4  }
0xb1: {  	v4 =	vperm.xlane v3, v0;
	_ =	sdelay $0x1  }
0xb2: {  	v3 =	vperm.xlane v3, v2;
	v4 =	vadd.s32 v1, v4;
	_ =	sdelay $0x1  }
0xb3: {  	v3 =	vadd.s32 v1, v3;
	_ =	sdelay $0x2  }
0xb4: {  	[hbm4b:s3+s2] =	stream.indirect_vreg.scatter [tilespmem:s25], [sflag:$0x1], $0x80, v4, vm0, $0xb8;
	[tilespmem:$0x10400] =	vst v63  }
0xb5: {  	_ = 	snop  }
0xb6: {  	[hbm4b:s3+s2] =	stream.indirect_vreg.scatter [tilespmem:s26], [sflag:$0x1], $0x80, v3, vm0, $0xb8;
	[tilespmem:$0x10400] =	vst v63  }
0xb7: {  	v3 =	vld [tilespmem:$0xC0];
	_ =	sdelay $0x4  }
0xb8: {  	v36 =	vshll.u32 v3, $0x1  }
0xb9: {  	v3 =	vand.u32 $0x7, v3;
	v4 =	vand.u32 $0xFFFFFFF0, v36  }
0xba: {  	v3 =	vor.u32 v3, v4  }
0xbb: {  	v4 =	vperm.xlane v3, v0;
	_ =	sdelay $0x1  }
0xbc: {  	v3 =	vperm.xlane v3, v2;
	v4 =	vadd.s32 v1, v4;
	_ =	sdelay $0x1  }
0xbd: {  	v3 =	vadd.s32 v1, v3;
	_ =	sdelay $0x2  }
0xbe: {  	[hbm4b:s3+s2] =	stream.indirect_vreg.scatter [tilespmem:s28], [sflag:$0x1], $0x80, v4, vm0, $0xb8;
	[tilespmem:$0x10400] =	vst v63  }
0xbf: {  	_ = 	snop  }
0xc0: {  	[hbm4b:s3+s2] =	stream.indirect_vreg.scatter [tilespmem:s7], [sflag:$0x1], $0x80, v3, vm0, $0xb8;
	[tilespmem:$0x10400] =	vst v63  }
0xc1: {  	v3 =	vld [tilespmem:$0xD0];
	_ =	sdelay $0x4  }
0xc2: {  	v37 =	vshll.u32 v3, $0x1  }
0xc3: {  	v3 =	vand.u32 $0x7, v3;
	v4 =	vand.u32 $0xFFFFFFF0, v37  }
0xc4: {  	v3 =	vor.u32 v3, v4  }
0xc5: {  	v4 =	vperm.xlane v3, v0;
	_ =	sdelay $0x1  }
0xc6: {  	v3 =	vperm.xlane v3, v2;
	v4 =	vadd.s32 v1, v4;
	_ =	sdelay $0x1  }
0xc7: {  	v3 =	vadd.s32 v1, v3;
	_ =	sdelay $0x2  }
0xc8: {  	[hbm4b:s3+s2] =	stream.indirect_vreg.scatter [tilespmem:s8], [sflag:$0x1], $0x80, v4, vm0, $0xb8;
	[tilespmem:$0x10400] =	vst v63  }
0xc9: {  	_ = 	snop  }
0xca: {  	[hbm4b:s3+s2] =	stream.indirect_vreg.scatter [tilespmem:s9], [sflag:$0x1], $0x80, v3, vm0, $0xb8;
	[tilespmem:$0x10400] =	vst v63  }
0xcb: {  	v3 =	vld [tilespmem:$0xE0];
	_ =	sdelay $0x4  }
0xcc: {  	v38 =	vshll.u32 v3, $0x1  }
0xcd: {  	v3 =	vand.u32 $0x7, v3;
	v4 =	vand.u32 $0xFFFFFFF0, v38  }
0xce: {  	v3 =	vor.u32 v3, v4  }
0xcf: {  	v4 =	vperm.xlane v3, v0;
	_ =	sdelay $0x1  }
0xd0: {  	v3 =	vperm.xlane v3, v2;
	v4 =	vadd.s32 v1, v4;
	_ =	sdelay $0x1  }
0xd1: {  	v3 =	vadd.s32 v1, v3;
	_ =	sdelay $0x2  }
0xd2: {  	[hbm4b:s3+s2] =	stream.indirect_vreg.scatter [tilespmem:s10], [sflag:$0x1], $0x80, v4, vm0, $0xb8;
	[tilespmem:$0x10400] =	vst v63  }
0xd3: {  	_ = 	snop  }
0xd4: {  	[hbm4b:s3+s2] =	stream.indirect_vreg.scatter [tilespmem:s11], [sflag:$0x1], $0x80, v3, vm0, $0xb8;
	[tilespmem:$0x10400] =	vst v63  }
0xd5: {  	v3 =	vld [tilespmem:$0xF0];
	_ =	sdelay $0x4  }
0xd6: {  	v39 =	vshll.u32 v3, $0x1  }
0xd7: {  	v3 =	vand.u32 $0x7, v3;
	v4 =	vand.u32 $0xFFFFFFF0, v39  }
0xd8: {  	v3 =	vor.u32 v3, v4  }
0xd9: {  	v4 =	vperm.xlane v3, v0;
	_ =	sdelay $0x1  }
0xda: {  	v3 =	vperm.xlane v3, v2;
	v4 =	vadd.s32 v1, v4;
	_ =	sdelay $0x1  }
0xdb: {  	v3 =	vadd.s32 v1, v3;
	_ =	sdelay $0x2  }
0xdc: {  	[hbm4b:s3+s2] =	stream.indirect_vreg.scatter [tilespmem:s12], [sflag:$0x1], $0x80, v4, vm0, $0xb8;
	[tilespmem:$0x10400] =	vst v63  }
0xdd: {  	_ = 	snop  }
0xde: {  	[hbm4b:s3+s2] =	stream.indirect_vreg.scatter [tilespmem:s13], [sflag:$0x1], $0x80, v3, vm0, $0xb8;
	[tilespmem:$0x10400] =	vst v63  }
0xdf: {  	_ =	swait.ge [sflag:s29], $0x8000  }
0xe0: {  	[sflag:s29] =	ssyncset.done $0x0  }
0xe1: {  	s30 =	rddreg [dreg:$0x9];
	[sflag:s29] =	ssyncadd.s32 $0xFFFF8000  }
0xe2: {  	[tilespmem:s14], [sflag:$0x2] =	stream.linear.gather [hbm4b:s30+s2], $0x8000, $0x38;
	[tilespmem:$0x10400] =	vst v63  }
0xe3: {  	_ =	swait.ge [sflag:s5], $0x8000  }
0xe4: {  	[sflag:s5] =	ssyncset.done $0x0  }
0xe5: {  	[sflag:s5] =	ssyncadd.s32 $0xFFFF8000  }
0xe6: {  	v3 =	vld [tilespmem:$0x100];
	_ =	sdelay $0x4  }
0xe7: {  	v40 =	vshll.u32 v3, $0x1  }
0xe8: {  	v3 =	vand.u32 $0x7, v3;
	v4 =	vand.u32 $0xFFFFFFF0, v40  }
0xe9: {  	v3 =	vor.u32 v3, v4  }
0xea: {  	v4 =	vperm.xlane v3, v0;
	_ =	sdelay $0x1  }
0xeb: {  	v3 =	vperm.xlane v3, v2;
	v4 =	vadd.s32 v1, v4;
	_ =	sdelay $0x1  }
0xec: {  	v3 =	vadd.s32 v1, v3;
	_ =	sdelay $0x2  }
0xed: {  	[hbm4b:s3+s2] =	stream.indirect_vreg.scatter [tilespmem:s14], [sflag:$0x1], $0x80, v4, vm0, $0xb8;
	[tilespmem:$0x10400] =	vst v63  }
0xee: {  	s30 =	simm.s32 $0xC00  }
0xef: {  	[hbm4b:s3+s2] =	stream.indirect_vreg.scatter [tilespmem:s30], [sflag:$0x1], $0x80, v3, vm0, $0xb8;
	[tilespmem:$0x10400] =	vst v63  }
0xf0: {  	v3 =	vld [tilespmem:$0x110];
	_ =	sdelay $0x4  }
0xf1: {  	v41 =	vshll.u32 v3, $0x1  }
0xf2: {  	v3 =	vand.u32 $0x7, v3;
	v4 =	vand.u32 $0xFFFFFFF0, v41  }
0xf3: {  	v3 =	vor.u32 v3, v4  }
0xf4: {  	v4 =	vperm.xlane v3, v0;
	_ =	sdelay $0x1  }
0xf5: {  	v3 =	vperm.xlane v3, v2;
	v4 =	vadd.s32 v1, v4;
	_ =	sdelay $0x1  }
0xf6: {  	v3 =	vadd.s32 v1, v3;
	_ =	sdelay $0x1  }
0xf7: {  	s30 =	simm.s32 $0x1400  }
0xf8: {  	[hbm4b:s3+s2] =	stream.indirect_vreg.scatter [tilespmem:s30], [sflag:$0x1], $0x80, v4, vm0, $0xb8;
	[tilespmem:$0x10400] =	vst v63  }
0xf9: {  	s30 =	simm.s32 $0x1C00  }
0xfa: {  	[hbm4b:s3+s2] =	stream.indirect_vreg.scatter [tilespmem:s30], [sflag:$0x1], $0x80, v3, vm0, $0xb8;
	[tilespmem:$0x10400] =	vst v63  }
0xfb: {  	v3 =	vld [tilespmem:$0x120];
	_ =	sdelay $0x4  }
0xfc: {  	v42 =	vshll.u32 v3, $0x1  }
0xfd: {  	v3 =	vand.u32 $0x7, v3;
	v4 =	vand.u32 $0xFFFFFFF0, v42  }
0xfe: {  	v3 =	vor.u32 v3, v4  }
0xff: {  	v4 =	vperm.xlane v3, v0;
	_ =	sdelay $0x1  }
0x100: {  	v3 =	vperm.xlane v3, v2;
	v4 =	vadd.s32 v1, v4;
	_ =	sdelay $0x1  }
0x101: {  	v3 =	vadd.s32 v1, v3;
	_ =	sdelay $0x1  }
0x102: {  	s30 =	simm.s32 $0x2400  }
0x103: {  	[hbm4b:s3+s2] =	stream.indirect_vreg.scatter [tilespmem:s30], [sflag:$0x1], $0x80, v4, vm0, $0xb8;
	[tilespmem:$0x10400] =	vst v63  }
0x104: {  	s30 =	simm.s32 $0x2C00  }
0x105: {  	[hbm4b:s3+s2] =	stream.indirect_vreg.scatter [tilespmem:s30], [sflag:$0x1], $0x80, v3, vm0, $0xb8;
	[tilespmem:$0x10400] =	vst v63  }
0x106: {  	v3 =	vld [tilespmem:$0x130];
	_ =	sdelay $0x4  }
0x107: {  	v43 =	vshll.u32 v3, $0x1  }
0x108: {  	v3 =	vand.u32 $0x7, v3;
	v4 =	vand.u32 $0xFFFFFFF0, v43  }
0x109: {  	v3 =	vor.u32 v3, v4  }
0x10a: {  	v4 =	vperm.xlane v3, v0;
	_ =	sdelay $0x1  }
0x10b: {  	v3 =	vperm.xlane v3, v2;
	v4 =	vadd.s32 v1, v4;
	_ =	sdelay $0x1  }
0x10c: {  	v3 =	vadd.s32 v1, v3;
	_ =	sdelay $0x1  }
0x10d: {  	s30 =	simm.s32 $0x3400  }
0x10e: {  	[hbm4b:s3+s2] =	stream.indirect_vreg.scatter [tilespmem:s30], [sflag:$0x1], $0x80, v4, vm0, $0xb8;
	[tilespmem:$0x10400] =	vst v63  }
0x10f: {  	s30 =	simm.s32 $0x3C00  }
0x110: {  	[hbm4b:s3+s2] =	stream.indirect_vreg.scatter [tilespmem:s30], [sflag:$0x1], $0x80, v3, vm0, $0xb8;
	[tilespmem:$0x10400] =	vst v63  }
0x111: {  	v3 =	vld [tilespmem:$0x140];
	_ =	sdelay $0x4  }
0x112: {  	v44 =	vshll.u32 v3, $0x1  }
0x113: {  	v3 =	vand.u32 $0x7, v3;
	v4 =	vand.u32 $0xFFFFFFF0, v44  }
0x114: {  	v3 =	vor.u32 v3, v4  }
0x115: {  	v4 =	vperm.xlane v3, v0;
	_ =	sdelay $0x1  }
0x116: {  	v3 =	vperm.xlane v3, v2;
	v4 =	vadd.s32 v1, v4;
	_ =	sdelay $0x1  }
0x117: {  	v3 =	vadd.s32 v1, v3;
	_ =	sdelay $0x2  }
0x118: {  	[hbm4b:s3+s2] =	stream.indirect_vreg.scatter [tilespmem:s15], [sflag:$0x1], $0x80, v4, vm0, $0xb8;
	[tilespmem:$0x10400] =	vst v63  }
0x119: {  	_ = 	snop  }
0x11a: {  	[hbm4b:s3+s2] =	stream.indirect_vreg.scatter [tilespmem:s16], [sflag:$0x1], $0x80, v3, vm0, $0xb8;
	[tilespmem:$0x10400] =	vst v63  }
0x11b: {  	v3 =	vld [tilespmem:$0x150];
	_ =	sdelay $0x4  }
0x11c: {  	v45 =	vshll.u32 v3, $0x1  }
0x11d: {  	v3 =	vand.u32 $0x7, v3;
	v4 =	vand.u32 $0xFFFFFFF0, v45  }
0x11e: {  	v3 =	vor.u32 v3, v4  }
0x11f: {  	v4 =	vperm.xlane v3, v0;
	_ =	sdelay $0x1  }
0x120: {  	v3 =	vperm.xlane v3, v2;
	v4 =	vadd.s32 v1, v4;
	_ =	sdelay $0x1  }
0x121: {  	v3 =	vadd.s32 v1, v3;
	_ =	sdelay $0x2  }
0x122: {  	[hbm4b:s3+s2] =	stream.indirect_vreg.scatter [tilespmem:s17], [sflag:$0x1], $0x80, v4, vm0, $0xb8;
	[tilespmem:$0x10400] =	vst v63  }
0x123: {  	_ = 	snop  }
0x124: {  	[hbm4b:s3+s2] =	stream.indirect_vreg.scatter [tilespmem:s18], [sflag:$0x1], $0x80, v3, vm0, $0xb8;
	[tilespmem:$0x10400] =	vst v63  }
0x125: {  	v3 =	vld [tilespmem:$0x160];
	_ =	sdelay $0x4  }
0x126: {  	v46 =	vshll.u32 v3, $0x1  }
0x127: {  	v3 =	vand.u32 $0x7, v3;
	v4 =	vand.u32 $0xFFFFFFF0, v46  }
0x128: {  	v3 =	vor.u32 v3, v4  }
0x129: {  	v4 =	vperm.xlane v3, v0;
	_ =	sdelay $0x1  }
0x12a: {  	v3 =	vperm.xlane v3, v2;
	v4 =	vadd.s32 v1, v4;
	_ =	sdelay $0x1  }
0x12b: {  	v3 =	vadd.s32 v1, v3;
	_ =	sdelay $0x2  }
0x12c: {  	[hbm4b:s3+s2] =	stream.indirect_vreg.scatter [tilespmem:s19], [sflag:$0x1], $0x80, v4, vm0, $0xb8;
	[tilespmem:$0x10400] =	vst v63  }
0x12d: {  	_ = 	snop  }
0x12e: {  	[hbm4b:s3+s2] =	stream.indirect_vreg.scatter [tilespmem:s20], [sflag:$0x1], $0x80, v3, vm0, $0xb8;
	[tilespmem:$0x10400] =	vst v63  }
0x12f: {  	v3 =	vld [tilespmem:$0x170];
	_ =	sdelay $0x4  }
0x130: {  	v47 =	vshll.u32 v3, $0x1  }
0x131: {  	v3 =	vand.u32 $0x7, v3;
	v4 =	vand.u32 $0xFFFFFFF0, v47  }
0x132: {  	v3 =	vor.u32 v3, v4  }
0x133: {  	v4 =	vperm.xlane v3, v0;
	_ =	sdelay $0x1  }
0x134: {  	v3 =	vperm.xlane v3, v2;
	v4 =	vadd.s32 v1, v4;
	_ =	sdelay $0x1  }
0x135: {  	v3 =	vadd.s32 v1, v3;
	_ =	sdelay $0x2  }
0x136: {  	[hbm4b:s3+s2] =	stream.indirect_vreg.scatter [tilespmem:s21], [sflag:$0x1], $0x80, v4, vm0, $0xb8;
	[tilespmem:$0x10400] =	vst v63  }
0x137: {  	_ = 	snop  }
0x138: {  	[hbm4b:s3+s2] =	stream.indirect_vreg.scatter [tilespmem:s22], [sflag:$0x1], $0x80, v3, vm0, $0xb8;
	[tilespmem:$0x10400] =	vst v63  }
0x139: {  	_ =	swait.ge [sflag:s29], $0x8000  }
0x13a: {  	[sflag:s29] =	ssyncset.done $0x0  }
0x13b: {  	s30 =	rddreg [dreg:$0xa];
	[sflag:s29] =	ssyncadd.s32 $0xFFFF8000  }
0x13c: {  	[tilespmem:s6], [sflag:$0x2] =	stream.linear.gather [hbm4b:s30+s2], $0x8000, $0x38;
	[tilespmem:$0x10400] =	vst v63  }
0x13d: {  	_ =	swait.ge [sflag:s5], $0x8000  }
0x13e: {  	[sflag:s5] =	ssyncset.done $0x0  }
0x13f: {  	[sflag:s5] =	ssyncadd.s32 $0xFFFF8000  }
0x140: {  	v3 =	vld [tilespmem:$0x180];
	_ =	sdelay $0x4  }
0x141: {  	v48 =	vshll.u32 v3, $0x1  }
0x142: {  	v3 =	vand.u32 $0x7, v3;
	v4 =	vand.u32 $0xFFFFFFF0, v48  }
0x143: {  	v3 =	vor.u32 v3, v4  }
0x144: {  	v4 =	vperm.xlane v3, v0;
	_ =	sdelay $0x1  }
0x145: {  	v3 =	vperm.xlane v3, v2;
	v4 =	vadd.s32 v1, v4;
	_ =	sdelay $0x1  }
0x146: {  	v3 =	vadd.s32 v1, v3;
	_ =	sdelay $0x2  }
0x147: {  	[hbm4b:s3+s2] =	stream.indirect_vreg.scatter [tilespmem:s6], [sflag:$0x1], $0x80, v4, vm0, $0xb8;
	[tilespmem:$0x10400] =	vst v63  }
0x148: {  	_ = 	snop  }
0x149: {  	[hbm4b:s3+s2] =	stream.indirect_vreg.scatter [tilespmem:s31], [sflag:$0x1], $0x80, v3, vm0, $0xb8;
	[tilespmem:$0x10400] =	vst v63  }
0x14a: {  	v3 =	vld [tilespmem:$0x190];
	_ =	sdelay $0x4  }
0x14b: {  	v49 =	vshll.u32 v3, $0x1  }
0x14c: {  	v3 =	vand.u32 $0x7, v3;
	v4 =	vand.u32 $0xFFFFFFF0, v49  }
0x14d: {  	v3 =	vor.u32 v3, v4  }
0x14e: {  	v4 =	vperm.xlane v3, v0;
	_ =	sdelay $0x1  }
0x14f: {  	v3 =	vperm.xlane v3, v2;
	v4 =	vadd.s32 v1, v4;
	_ =	sdelay $0x1  }
0x150: {  	v3 =	vadd.s32 v1, v3;
	_ =	sdelay $0x2  }
0x151: {  	[hbm4b:s3+s2] =	stream.indirect_vreg.scatter [tilespmem:s1], [sflag:$0x1], $0x80, v4, vm0, $0xb8;
	[tilespmem:$0x10400] =	vst v63  }
0x152: {  	_ = 	snop  }
0x153: {  	[hbm4b:s3+s2] =	stream.indirect_vreg.scatter [tilespmem:s0], [sflag:$0x1], $0x80, v3, vm0, $0xb8;
	[tilespmem:$0x10400] =	vst v63  }
0x154: {  	v3 =	vld [tilespmem:$0x1A0];
	_ =	sdelay $0x4  }
0x155: {  	v50 =	vshll.u32 v3, $0x1  }
0x156: {  	v3 =	vand.u32 $0x7, v3;
	v4 =	vand.u32 $0xFFFFFFF0, v50  }
0x157: {  	v3 =	vor.u32 v3, v4  }
0x158: {  	v4 =	vperm.xlane v3, v0;
	_ =	sdelay $0x1  }
0x159: {  	v3 =	vperm.xlane v3, v2;
	v4 =	vadd.s32 v1, v4;
	_ =	sdelay $0x1  }
0x15a: {  	v3 =	vadd.s32 v1, v3;
	_ =	sdelay $0x2  }
0x15b: {  	[hbm4b:s3+s2] =	stream.indirect_vreg.scatter [tilespmem:s23], [sflag:$0x1], $0x80, v4, vm0, $0xb8;
	[tilespmem:$0x10400] =	vst v63  }
0x15c: {  	_ = 	snop  }
0x15d: {  	[hbm4b:s3+s2] =	stream.indirect_vreg.scatter [tilespmem:s24], [sflag:$0x1], $0x80, v3, vm0, $0xb8;
	[tilespmem:$0x10400] =	vst v63  }
0x15e: {  	v3 =	vld [tilespmem:$0x1B0];
	_ =	sdelay $0x4  }
0x15f: {  	v51 =	vshll.u32 v3, $0x1  }
0x160: {  	v3 =	vand.u32 $0x7, v3;
	v4 =	vand.u32 $0xFFFFFFF0, v51  }
0x161: {  	v3 =	vor.u32 v3, v4  }
0x162: {  	v4 =	vperm.xlane v3, v0;
	_ =	sdelay $0x1  }
0x163: {  	v3 =	vperm.xlane v3, v2;
	v4 =	vadd.s32 v1, v4;
	_ =	sdelay $0x1  }
0x164: {  	v3 =	vadd.s32 v1, v3;
	_ =	sdelay $0x2  }
0x165: {  	[hbm4b:s3+s2] =	stream.indirect_vreg.scatter [tilespmem:s25], [sflag:$0x1], $0x80, v4, vm0, $0xb8;
	[tilespmem:$0x10400] =	vst v63  }
0x166: {  	_ = 	snop  }
0x167: {  	[hbm4b:s3+s2] =	stream.indirect_vreg.scatter [tilespmem:s26], [sflag:$0x1], $0x80, v3, vm0, $0xb8;
	[tilespmem:$0x10400] =	vst v63  }
0x168: {  	v3 =	vld [tilespmem:$0x1C0];
	_ =	sdelay $0x4  }
0x169: {  	v52 =	vshll.u32 v3, $0x1  }
0x16a: {  	v3 =	vand.u32 $0x7, v3;
	v4 =	vand.u32 $0xFFFFFFF0, v52  }
0x16b: {  	v3 =	vor.u32 v3, v4  }
0x16c: {  	v4 =	vperm.xlane v3, v0;
	_ =	sdelay $0x1  }
0x16d: {  	v3 =	vperm.xlane v3, v2;
	v4 =	vadd.s32 v1, v4;
	_ =	sdelay $0x1  }
0x16e: {  	v3 =	vadd.s32 v1, v3;
	_ =	sdelay $0x2  }
0x16f: {  	[hbm4b:s3+s2] =	stream.indirect_vreg.scatter [tilespmem:s28], [sflag:$0x1], $0x80, v4, vm0, $0xb8;
	[tilespmem:$0x10400] =	vst v63  }
0x170: {  	_ = 	snop  }
0x171: {  	[hbm4b:s3+s2] =	stream.indirect_vreg.scatter [tilespmem:s7], [sflag:$0x1], $0x80, v3, vm0, $0xb8;
	[tilespmem:$0x10400] =	vst v63  }
0x172: {  	v3 =	vld [tilespmem:$0x1D0];
	_ =	sdelay $0x4  }
0x173: {  	v53 =	vshll.u32 v3, $0x1  }
0x174: {  	v3 =	vand.u32 $0x7, v3;
	v4 =	vand.u32 $0xFFFFFFF0, v53  }
0x175: {  	v3 =	vor.u32 v3, v4  }
0x176: {  	v4 =	vperm.xlane v3, v0;
	_ =	sdelay $0x1  }
0x177: {  	v3 =	vperm.xlane v3, v2;
	v4 =	vadd.s32 v1, v4;
	_ =	sdelay $0x1  }
0x178: {  	v3 =	vadd.s32 v1, v3;
	_ =	sdelay $0x2  }
0x179: {  	[hbm4b:s3+s2] =	stream.indirect_vreg.scatter [tilespmem:s8], [sflag:$0x1], $0x80, v4, vm0, $0xb8;
	[tilespmem:$0x10400] =	vst v63  }
0x17a: {  	_ = 	snop  }
0x17b: {  	[hbm4b:s3+s2] =	stream.indirect_vreg.scatter [tilespmem:s9], [sflag:$0x1], $0x80, v3, vm0, $0xb8;
	[tilespmem:$0x10400] =	vst v63  }
0x17c: {  	v3 =	vld [tilespmem:$0x1E0];
	_ =	sdelay $0x4  }
0x17d: {  	v54 =	vshll.u32 v3, $0x1  }
0x17e: {  	v3 =	vand.u32 $0x7, v3;
	v4 =	vand.u32 $0xFFFFFFF0, v54  }
0x17f: {  	v3 =	vor.u32 v3, v4  }
0x180: {  	v4 =	vperm.xlane v3, v0;
	_ =	sdelay $0x1  }
0x181: {  	v3 =	vperm.xlane v3, v2;
	v4 =	vadd.s32 v1, v4;
	_ =	sdelay $0x1  }
0x182: {  	v3 =	vadd.s32 v1, v3;
	_ =	sdelay $0x2  }
0x183: {  	[hbm4b:s3+s2] =	stream.indirect_vreg.scatter [tilespmem:s10], [sflag:$0x1], $0x80, v4, vm0, $0xb8;
	[tilespmem:$0x10400] =	vst v63  }
0x184: {  	_ = 	snop  }
0x185: {  	[hbm4b:s3+s2] =	stream.indirect_vreg.scatter [tilespmem:s11], [sflag:$0x1], $0x80, v3, vm0, $0xb8;
	[tilespmem:$0x10400] =	vst v63  }
0x186: {  	v3 =	vld [tilespmem:$0x1F0];
	_ =	sdelay $0x4  }
0x187: {  	v55 =	vshll.u32 v3, $0x1  }
0x188: {  	v3 =	vand.u32 $0x7, v3;
	v4 =	vand.u32 $0xFFFFFFF0, v55  }
0x189: {  	v3 =	vor.u32 v3, v4  }
0x18a: {  	v4 =	vperm.xlane v3, v0;
	_ =	sdelay $0x1  }
0x18b: {  	v3 =	vperm.xlane v3, v2;
	v4 =	vadd.s32 v1, v4;
	_ =	sdelay $0x1  }
0x18c: {  	v3 =	vadd.s32 v1, v3;
	_ =	sdelay $0x2  }
0x18d: {  	[hbm4b:s3+s2] =	stream.indirect_vreg.scatter [tilespmem:s12], [sflag:$0x1], $0x80, v4, vm0, $0xb8;
	[tilespmem:$0x10400] =	vst v63  }
0x18e: {  	_ = 	snop  }
0x18f: {  	[hbm4b:s3+s2] =	stream.indirect_vreg.scatter [tilespmem:s13], [sflag:$0x1], $0x80, v3, vm0, $0xb8;
	[tilespmem:$0x10400] =	vst v63  }
0x190: {  	_ =	swait.ge [sflag:s29], $0x8000  }
0x191: {  	[sflag:s29] =	ssyncset.done $0x0  }
0x192: {  	s0 =	rddreg [dreg:$0xb];
	[sflag:s29] =	ssyncadd.s32 $0xFFFF8000  }
0x193: {  	[tilespmem:s14], [sflag:$0x2] =	stream.linear.gather [hbm4b:s0+s2], $0x8000, $0x38;
	[tilespmem:$0x10400] =	vst v63  }
0x194: {  	_ =	swait.ge [sflag:s5], $0x8000  }
0x195: {  	[sflag:s5] =	ssyncset.done $0x0  }
0x196: {  	[sflag:s5] =	ssyncadd.s32 $0xFFFF8000  }
0x197: {  	v3 =	vld [tilespmem:$0x200];
	_ =	sdelay $0x4  }
0x198: {  	v56 =	vshll.u32 v3, $0x1  }
0x199: {  	v3 =	vand.u32 $0x7, v3;
	v4 =	vand.u32 $0xFFFFFFF0, v56  }
0x19a: {  	v3 =	vor.u32 v3, v4  }
0x19b: {  	v4 =	vperm.xlane v3, v0;
	_ =	sdelay $0x1  }
0x19c: {  	v3 =	vperm.xlane v3, v2;
	v4 =	vadd.s32 v1, v4;
	_ =	sdelay $0x1  }
0x19d: {  	v3 =	vadd.s32 v1, v3;
	_ =	sdelay $0x2  }
0x19e: {  	[hbm4b:s3+s2] =	stream.indirect_vreg.scatter [tilespmem:s14], [sflag:$0x1], $0x80, v4, vm0, $0xb8;
	[tilespmem:$0x10400] =	vst v63  }
0x19f: {  	s31 =	simm.s32 $0xC00  }
0x1a0: {  	[hbm4b:s3+s2] =	stream.indirect_vreg.scatter [tilespmem:s31], [sflag:$0x1], $0x80, v3, vm0, $0xb8;
	[tilespmem:$0x10400] =	vst v63  }
0x1a1: {  	v3 =	vld [tilespmem:$0x210];
	_ =	sdelay $0x4  }
0x1a2: {  	v57 =	vshll.u32 v3, $0x1  }
0x1a3: {  	v3 =	vand.u32 $0x7, v3;
	v4 =	vand.u32 $0xFFFFFFF0, v57  }
0x1a4: {  	v3 =	vor.u32 v3, v4  }
0x1a5: {  	v4 =	vperm.xlane v3, v0;
	_ =	sdelay $0x1  }
0x1a6: {  	v3 =	vperm.xlane v3, v2;
	v4 =	vadd.s32 v1, v4;
	_ =	sdelay $0x1  }
0x1a7: {  	v3 =	vadd.s32 v1, v3;
	_ =	sdelay $0x1  }
0x1a8: {  	s30 =	simm.s32 $0x1400  }
0x1a9: {  	[hbm4b:s3+s2] =	stream.indirect_vreg.scatter [tilespmem:s30], [sflag:$0x1], $0x80, v4, vm0, $0xb8;
	[tilespmem:$0x10400] =	vst v63  }
0x1aa: {  	s31 =	simm.s32 $0x1C00  }
0x1ab: {  	[hbm4b:s3+s2] =	stream.indirect_vreg.scatter [tilespmem:s31], [sflag:$0x1], $0x80, v3, vm0, $0xb8;
	[tilespmem:$0x10400] =	vst v63  }
0x1ac: {  	v3 =	vld [tilespmem:$0x220];
	_ =	sdelay $0x4  }
0x1ad: {  	v58 =	vshll.u32 v3, $0x1  }
0x1ae: {  	v3 =	vand.u32 $0x7, v3;
	v4 =	vand.u32 $0xFFFFFFF0, v58  }
0x1af: {  	v3 =	vor.u32 v3, v4  }
0x1b0: {  	v4 =	vperm.xlane v3, v0;
	_ =	sdelay $0x1  }
0x1b1: {  	v3 =	vperm.xlane v3, v2;
	v4 =	vadd.s32 v1, v4;
	_ =	sdelay $0x1  }
0x1b2: {  	v3 =	vadd.s32 v1, v3;
	_ =	sdelay $0x1  }
0x1b3: {  	s30 =	simm.s32 $0x2400  }
0x1b4: {  	[hbm4b:s3+s2] =	stream.indirect_vreg.scatter [tilespmem:s30], [sflag:$0x1], $0x80, v4, vm0, $0xb8;
	[tilespmem:$0x10400] =	vst v63  }
0x1b5: {  	s31 =	simm.s32 $0x2C00  }
0x1b6: {  	[hbm4b:s3+s2] =	stream.indirect_vreg.scatter [tilespmem:s31], [sflag:$0x1], $0x80, v3, vm0, $0xb8;
	[tilespmem:$0x10400] =	vst v63  }
0x1b7: {  	v3 =	vld [tilespmem:$0x230];
	_ =	sdelay $0x4  }
0x1b8: {  	v59 =	vshll.u32 v3, $0x1  }
0x1b9: {  	v3 =	vand.u32 $0x7, v3;
	v4 =	vand.u32 $0xFFFFFFF0, v59  }
0x1ba: {  	v3 =	vor.u32 v3, v4  }
0x1bb: {  	v4 =	vperm.xlane v3, v0;
	_ =	sdelay $0x1  }
0x1bc: {  	v3 =	vperm.xlane v3, v2;
	v4 =	vadd.s32 v1, v4;
	_ =	sdelay $0x1  }
0x1bd: {  	v3 =	vadd.s32 v1, v3;
	_ =	sdelay $0x1  }
0x1be: {  	s30 =	simm.s32 $0x3400  }
0x1bf: {  	[hbm4b:s3+s2] =	stream.indirect_vreg.scatter [tilespmem:s30], [sflag:$0x1], $0x80, v4, vm0, $0xb8;
	[tilespmem:$0x10400] =	vst v63  }
0x1c0: {  	s31 =	simm.s32 $0x3C00  }
0x1c1: {  	[hbm4b:s3+s2] =	stream.indirect_vreg.scatter [tilespmem:s31], [sflag:$0x1], $0x80, v3, vm0, $0xb8;
	[tilespmem:$0x10400] =	vst v63  }
0x1c2: {  	v3 =	vld [tilespmem:$0x240];
	_ =	sdelay $0x4  }
0x1c3: {  	v60 =	vshll.u32 v3, $0x1  }
0x1c4: {  	v3 =	vand.u32 $0x7, v3;
	v4 =	vand.u32 $0xFFFFFFF0, v60  }
0x1c5: {  	v3 =	vor.u32 v3, v4  }
0x1c6: {  	v4 =	vperm.xlane v3, v0;
	_ =	sdelay $0x1  }
0x1c7: {  	v3 =	vperm.xlane v3, v2;
	v4 =	vadd.s32 v1, v4;
	_ =	sdelay $0x1  }
0x1c8: {  	v3 =	vadd.s32 v1, v3;
	_ =	sdelay $0x2  }
0x1c9: {  	[hbm4b:s3+s2] =	stream.indirect_vreg.scatter [tilespmem:s15], [sflag:$0x1], $0x80, v4, vm0, $0xb8;
	[tilespmem:$0x10400] =	vst v63  }
0x1ca: {  	_ = 	snop  }
0x1cb: {  	[hbm4b:s3+s2] =	stream.indirect_vreg.scatter [tilespmem:s16], [sflag:$0x1], $0x80, v3, vm0, $0xb8;
	[tilespmem:$0x10400] =	vst v63  }
0x1cc: {  	v3 =	vld [tilespmem:$0x250];
	_ =	sdelay $0x4  }
0x1cd: {  	v61 =	vshll.u32 v3, $0x1  }
0x1ce: {  	v3 =	vand.u32 $0x7, v3;
	v4 =	vand.u32 $0xFFFFFFF0, v61  }
0x1cf: {  	v3 =	vor.u32 v3, v4  }
0x1d0: {  	v4 =	vperm.xlane v3, v0;
	_ =	sdelay $0x1  }
0x1d1: {  	v3 =	vperm.xlane v3, v2;
	v4 =	vadd.s32 v1, v4;
	_ =	sdelay $0x1  }
0x1d2: {  	v3 =	vadd.s32 v1, v3;
	_ =	sdelay $0x2  }
0x1d3: {  	[hbm4b:s3+s2] =	stream.indirect_vreg.scatter [tilespmem:s17], [sflag:$0x1], $0x80, v4, vm0, $0xb8;
	[tilespmem:$0x10400] =	vst v63  }
0x1d4: {  	_ = 	snop  }
0x1d5: {  	[hbm4b:s3+s2] =	stream.indirect_vreg.scatter [tilespmem:s18], [sflag:$0x1], $0x80, v3, vm0, $0xb8;
	[tilespmem:$0x10400] =	vst v63  }
0x1d6: {  	v3 =	vld [tilespmem:$0x260];
	_ =	sdelay $0x4  }
0x1d7: {  	v62 =	vshll.u32 v3, $0x1  }
0x1d8: {  	v3 =	vand.u32 $0x7, v3;
	v4 =	vand.u32 $0xFFFFFFF0, v62  }
0x1d9: {  	v3 =	vor.u32 v3, v4  }
0x1da: {  	v4 =	vperm.xlane v3, v0;
	_ =	sdelay $0x1  }
0x1db: {  	v3 =	vperm.xlane v3, v2;
	v4 =	vadd.s32 v1, v4;
	_ =	sdelay $0x1  }
0x1dc: {  	v3 =	vadd.s32 v1, v3;
	_ =	sdelay $0x2  }
0x1dd: {  	[hbm4b:s3+s2] =	stream.indirect_vreg.scatter [tilespmem:s19], [sflag:$0x1], $0x80, v4, vm0, $0xb8;
	[tilespmem:$0x10400] =	vst v63  }
0x1de: {  	_ = 	snop  }
0x1df: {  	[hbm4b:s3+s2] =	stream.indirect_vreg.scatter [tilespmem:s20], [sflag:$0x1], $0x80, v3, vm0, $0xb8;
	[tilespmem:$0x10400] =	vst v63  }
0x1e0: {  	v3 =	vld [tilespmem:$0x270];
	_ =	sdelay $0x4  }
0x1e1: {  	v63 =	vshll.u32 v3, $0x1  }
0x1e2: {  	v3 =	vand.u32 $0x7, v3;
	v4 =	vand.u32 $0xFFFFFFF0, v63  }
0x1e3: {  	v3 =	vor.u32 v3, v4  }
0x1e4: {  	v4 =	vperm.xlane v3, v0;
	_ =	sdelay $0x1  }
0x1e5: {  	v3 =	vperm.xlane v3, v2;
	v4 =	vadd.s32 v1, v4;
	_ =	sdelay $0x1  }
0x1e6: {  	v3 =	vadd.s32 v1, v3;
	_ =	sdelay $0x2  }
0x1e7: {  	[hbm4b:s3+s2] =	stream.indirect_vreg.scatter [tilespmem:s21], [sflag:$0x1], $0x80, v4, vm0, $0xb8;
	[tilespmem:$0x10400] =	vst v63  }
0x1e8: {  	_ = 	snop  }
0x1e9: {  	[hbm4b:s3+s2] =	stream.indirect_vreg.scatter [tilespmem:s22], [sflag:$0x1], $0x80, v3, vm0, $0xb8;
	[tilespmem:$0x10400] =	vst v63  }
0x1ea: {  	p0 =	sne.s32 s4, $0x1;
	_ =	swait.ge [sflag:s29], $0x8000  }
.Ltmp0:
0x1eb: {  	[sflag:s29] =	ssyncset.done $0x0;
	(pc) =	sbr.rel @p0 .LBB2_1-.Ltmp0, $4  }
0x1ec: {  	[sflag:s29] =	ssyncadd.s32 $0xFFFF8000  }
0x1ed: {  	_ =	swait.ge [sflag:s29], $0x8000  }
0x1ee: {  	[sflag:s29] =	ssyncset.done $0x0  }
0x1ef: {  	s4 =	sadd.s32 $0xFFFFFFFF, s4;
	[sflag:s29] =	ssyncadd.s32 $0xFFFF8000  }
0x1f0: {  	_ =	sfence.sel $0x180000  }
0x1f1: {  	[bflag:$0x0] =	sbarrier.arrive $0xFFFF  }
0x1f2: {  	_ =	strace $0x9000004D  }
0x1f3: {  	s0 =	stileid.u32;
	[bflag:$0x2] =	sbarrier.arrive $0xFFFF  }
0x1f4: {  	p0 =	sne.s32 s0, $0x0;
	s0 =	rddreg [dreg:$0x1]  }
0x1f5: {  	s0 =	sadd.s32 @!p0 $0x100000, s0  }
0x1f6: {  	[sflag:s0] =	ssyncadd.tile.s32 @!p0 $0x1;
	_ =	shalt  }
.Lfunc_end2:
_tile_overlayer_lowered:
.L_overlay_start_2:
0x1f7: {  	(tag) =	ssettag $0x2  }
0x1f8: {  	s0 =	rddreg [dreg:$0x0];
	s2 =	stileid.u32  }
0x1f9: {  	s1 =	rddreg [dreg:$0x1];
	p0 =	sne.s32 s2, $0x0  }
0x1fa: {  	s3 =	rddreg [dreg:$0x2];
	[bflag:$0x3] =	sbarrier.arrive $0xFFFF;
	s2 =	simm.s32 @!p0 $0x1C02  }
0x1fb: {  	[timem:s3], [sflag:s2] =	dma.local @!p0 [hbm:s0], s1  }
0x1fc: {  	s0 =	simm.s32 @!p0 $0x2  }
0x1fd: {  	_ =	swait.ge @!p0 [sflag:s0], s1  }
0x1fe: {  	s1 =	ssub.s32 @!p0 $0x0, s1;
	[sflag:s0] =	ssyncset.done @!p0 $0x0  }
0x1ff: {  	[sflag:s0] =	ssyncadd.s32 @!p0 s1  }
0x200: {  	[bflag:$0x3] =	sbarrier.arrive $0xFFFF  }
0x201: {  	_ =	shalt  }

</sc_bundles>
